<compile_context>
chip_gen: v7x
topology: tpu7x:2x2x1
jax: 0.10.2.dev20260603
libtpu: 0.0.44.dev20260713+nightly
codegen_flags: <defaults>
</compile_context>

<pallas_src>
import functools

import jax
import jax.numpy as jnp
from jax import lax
from jax.experimental import pallas as pl
from jax.experimental.pallas import tpu as pltpu
from jax.experimental.pallas import tpu_sc as plsc

N = 10000
E = 320000
D = 128
G = 64

NC = 2
NS = 16
NW = NC * NS
EW = E // NW
K = 84
CPB = 4
NBLK = 30
EWP = NBLK * CPB * K
PADW = EWP - EW
NP = 10112
RPT = NP // NS
NPAD = NP - N


def _sc_body(er_hbm, x_hbm, out_hbm, sidx, didx, b0, b1, b2, b3,
             g0, g1, g2, g3, s0, s1, s2, s3, isem, shared):
    c = lax.axis_index("c")
    s = lax.axis_index("s")
    w = c * NS + s
    bufs = (b0, b1, b2, b3)
    gsems = (g0, g1, g2, g3)
    ssems = (s0, s1, s2, s3)

    def _gather(ph, j, q):
        pltpu.async_copy(x_hbm.at[sidx.at[ph, j]], bufs[q], gsems[q])

    def _gwait(ph, j, q):
        pltpu.make_async_copy(x_hbm.at[sidx.at[ph, j]], bufs[q],
                              gsems[q]).wait()

    def _scatter(ph, j, q):
        pltpu.async_copy(bufs[q], shared.at[didx.at[ph, j]], ssems[q],
                         add=True)

    def _swait(q):
        pltpu.make_async_copy(bufs[q], shared.at[didx.at[0, 0]],
                              ssems[q]).wait()

    pltpu.sync_copy(er_hbm.at[0, w, 0], sidx.at[0])
    pltpu.sync_copy(er_hbm.at[1, w, 0], didx.at[0])
    pltpu.async_copy(er_hbm.at[0, w, 1], sidx.at[1], isem)
    pltpu.async_copy(er_hbm.at[1, w, 1], didx.at[1], isem)
    _gather(0, 0, 0)
    _gather(0, 1, 1)

    zero = jnp.zeros((16,), jnp.float32)

    def _zfill(i, carry):
        b3[i // 8, pl.ds((i % 8) * 16, 16)] = zero
        return carry

    lax.fori_loop(0, 80 * 8, _zfill, 0)
    for z in range(7):
        pltpu.sync_copy(b3.at[pl.ds(0, 80)],
                        shared.at[pl.ds(s * RPT + z * 80, 80)])
    pltpu.sync_copy(b3.at[pl.ds(0, RPT - 560)],
                    shared.at[pl.ds(s * RPT + 560, RPT - 560)])

    plsc.subcore_barrier()

    def _block(blk, carry):
        p3 = lax.rem(blk, 3)
        n3 = lax.rem(blk + 1, 3)
        for j in range(CPB):
            tgt = j + 2
            if tgt < CPB:
                @pl.when(blk > 0)
                def _():
                    _swait(tgt)
                _gather(p3, tgt, tgt)
            if j == 2:
                @pl.when(blk < NBLK - 1)
                def _():
                    pltpu.make_async_copy(er_hbm.at[0, w, blk + 1],
                                          sidx.at[n3], isem).wait()
                    pltpu.make_async_copy(er_hbm.at[1, w, blk + 1],
                                          didx.at[n3], isem).wait()

                @pl.when(blk < NBLK - 2)
                def _():
                    pltpu.async_copy(er_hbm.at[0, w, blk + 2],
                                     sidx.at[lax.rem(blk + 2, 3)], isem)
                    pltpu.async_copy(er_hbm.at[1, w, blk + 2],
                                     didx.at[lax.rem(blk + 2, 3)], isem)

                @pl.when(blk < NBLK - 1)
                def _():
                    _swait(0)
                    _gather(n3, 0, 0)
            if j == 3:
                @pl.when(blk < NBLK - 1)
                def _():
                    _swait(1)
                    _gather(n3, 1, 1)
            _gwait(p3, j, j)
            _scatter(p3, j, j)
        return carry

    lax.fori_loop(0, NBLK, _block, 0)
    for q in range(4):
        _swait(q)

    plsc.subcore_barrier()
    pltpu.sync_copy(shared.at[pl.ds(s * RPT, RPT)],
                    out_hbm.at[c, pl.ds(s * RPT, RPT)])


@jax.jit
def _sc_aggregate(edge_index, x):
    ei = edge_index.reshape(2, NW, EW)
    j = jnp.arange(PADW, dtype=jnp.int32)
    wv = jnp.arange(NW, dtype=jnp.int32)[:, None]
    pad_src = (wv * 317 + j * 13) % N
    pad_dst = (N + (wv * 31 + j) % NPAD).astype(jnp.int32)
    er = jnp.concatenate(
        [ei, jnp.stack([pad_src, pad_dst])], axis=2
    ).reshape(2, NW, NBLK, CPB, K)
    mesh = plsc.VectorSubcoreMesh(core_axis_name="c", subcore_axis_name="s")
    fn = pl.kernel(
        _sc_body,
        out_type=jax.ShapeDtypeStruct((NC, NP, D), jnp.float32),
        mesh=mesh,
        scratch_types=[
            pltpu.VMEM((3, CPB, K), jnp.int32),
            pltpu.VMEM((3, CPB, K), jnp.int32),
            pltpu.VMEM((K, D), jnp.float32),
            pltpu.VMEM((K, D), jnp.float32),
            pltpu.VMEM((K, D), jnp.float32),
            pltpu.VMEM((K, D), jnp.float32),
            pltpu.SemaphoreType.DMA,
            pltpu.SemaphoreType.DMA,
            pltpu.SemaphoreType.DMA,
            pltpu.SemaphoreType.DMA,
            pltpu.SemaphoreType.DMA,
            pltpu.SemaphoreType.DMA,
            pltpu.SemaphoreType.DMA,
            pltpu.SemaphoreType.DMA,
            pltpu.SemaphoreType.DMA,
            pltpu.VMEM_SHARED((NP, D), jnp.float32),
        ],
    )
    return fn(er, x)


R = 2000
NB = N // R


def _tc_body(xb, ab, bb, W1b, b1b, W2b, b2b, W3b, b3b, outb):
    i = pl.program_id(0)
    h = xb[...] + ab[0] + ab[1]
    h = jnp.maximum(jnp.dot(h, W1b[...], preferred_element_type=jnp.float32)
                    + b1b[...], 0.0)
    h = jnp.maximum(jnp.dot(h, W2b[...], preferred_element_type=jnp.float32)
                    + b2b[...], 0.0)
    o = jnp.dot(h, W3b[...], preferred_element_type=jnp.float32) + b3b[...]
    gids = lax.broadcasted_iota(jnp.int32, (G, R), 0)
    onehot = (bb[0] == gids).astype(jnp.float32)
    seg = jnp.dot(onehot, o, preferred_element_type=jnp.float32)

    @pl.when(i == 0)
    def _():
        outb[...] = seg

    @pl.when(i > 0)
    def _():
        outb[...] += seg


@jax.jit
def _tc_mlp_pool(x, agg, batch, W1, b1, W2, b2, W3, b3):
    O = W3.shape[1]
    b3d = batch.reshape(NB, 1, R)
    full = lambda *_: (0, 0)
    out = pl.pallas_call(
        _tc_body,
        grid=(NB,),
        in_specs=[
            pl.BlockSpec((R, D), lambda i: (i, 0)),
            pl.BlockSpec((NC, R, D), lambda i: (0, i, 0)),
            pl.BlockSpec((1, 1, R), lambda i: (i, 0, 0)),
            pl.BlockSpec((D, D), full),
            pl.BlockSpec((1, D), full),
            pl.BlockSpec((D, D), full),
            pl.BlockSpec((1, D), full),
            pl.BlockSpec((D, O), full),
            pl.BlockSpec((1, O), full),
        ],
        out_specs=pl.BlockSpec((G, O), full),
        out_shape=jax.ShapeDtypeStruct((G, O), jnp.float32),
    )(x, agg, b3d, W1, b1.reshape(1, D), W2, b2.reshape(1, D),
      W3, b3.reshape(1, O))
    return out


def kernel(x, edge_index, batch, W1, b1, W2, b2, W3, b3):
    agg = _sc_aggregate(edge_index, x)
    return _tc_mlp_pool(x, agg, batch, W1, b1, W2, b2, W3, b3)

# --- scband reference (transcript-rebuilt; emitter-appended) ---
"""Pipeline reference for scband-pretrain-model-11304353923870 (READ-ONLY COPY).

The authoritative reference and input builder live on the scoring server;
editing this copy changes nothing except your own understanding.
"""

import jax, jax.numpy as jnp
import numpy as np

N = 10000
E = 320000
D = 128
H = 128
O = 128
G = 64


def setup_inputs(seed: int = 0) -> dict:
    key = jax.random.key(seed)
    ks = jax.random.split(key, 10)
    x = jax.random.normal(ks[0], (N, D), dtype=jnp.float32)
    edge_index = jax.random.randint(ks[1], (2, E), 0, N).astype(jnp.int32)
    batch = jnp.sort(jax.random.randint(ks[2], (N,), 0, G)).astype(jnp.int32)
    # GIN MLP params: Linear(D,H), ReLU, Linear(H,H), ReLU; then output Linear(H,O)
    W1 = jax.random.normal(ks[3], (D, H), dtype=jnp.float32) * (1.0 / np.sqrt(D))
    b1 = jnp.zeros((H,), dtype=jnp.float32)
    W2 = jax.random.normal(ks[4], (H, H), dtype=jnp.float32) * (1.0 / np.sqrt(H))
    b2 = jnp.zeros((H,), dtype=jnp.float32)
    W3 = jax.random.normal(ks[5], (H, O), dtype=jnp.float32) * (1.0 / np.sqrt(H))
    b3 = jnp.zeros((O,), dtype=jnp.float32)
    return {"x": x, "edge_index": edge_index, "batch": batch,
            "W1": W1, "b1": b1, "W2": W2, "b2": b2, "W3": W3, "b3": b3}


def reference(x, edge_index, batch, W1, b1, W2, b2, W3, b3):
    # GINConv with default eps=0: h = MLP((1+eps)*x + sum_{j in N(i)} x_j)
    src = edge_index[0]
    dst = edge_index[1]
    agg = jax.ops.segment_sum(jnp.take(x, src, axis=0), dst, num_segments=N)
    h = x + agg
    h = jax.nn.relu(h @ W1 + b1)
    h = jax.nn.relu(h @ W2 + b2)
    out = h @ W3 + b3
    # global_add_pool over graph-id `batch`
    pooled = jax.ops.segment_sum(out, batch, num_segments=G)
    return pooled

if __name__ == "__main__":
    import jax
    _d = setup_inputs()
    print(jax.jit(kernel)(*tuple(_d.values())))

</pallas_src>

<mosaic_0001>
#map = affine_map<(d0, d1) -> (0, 0, 0, 0, 0)>
#map1 = affine_map<(d0, d1) -> (0, 0)>
#map2 = affine_map<(d0, d1) -> (0, 0, 0)>
module attributes {stable_mosaic.version = 14 : i64} {
  func.func @_sc_body(%arg0: i32, %arg1: i32, %arg2: memref<2x32x30x4x84xi32, #tpu.memory_space<hbm>>, %arg3: memref<10000x128xf32, #tpu.memory_space<hbm>>, %arg4: memref<2x10112x128xf32, #tpu.memory_space<hbm>>, %arg5: memref<3x4x84xi32, #tpu.memory_space<vmem>>, %arg6: memref<3x4x84xi32, #tpu.memory_space<vmem>>, %arg7: memref<84x128xf32, #tpu.memory_space<vmem>>, %arg8: memref<84x128xf32, #tpu.memory_space<vmem>>, %arg9: memref<84x128xf32, #tpu.memory_space<vmem>>, %arg10: memref<84x128xf32, #tpu.memory_space<vmem>>, %arg11: memref<!tpu.dma_semaphore, #tpu.memory_space<semaphore_mem>>, %arg12: memref<!tpu.dma_semaphore, #tpu.memory_space<semaphore_mem>>, %arg13: memref<!tpu.dma_semaphore, #tpu.memory_space<semaphore_mem>>, %arg14: memref<!tpu.dma_semaphore, #tpu.memory_space<semaphore_mem>>, %arg15: memref<!tpu.dma_semaphore, #tpu.memory_space<semaphore_mem>>, %arg16: memref<!tpu.dma_semaphore, #tpu.memory_space<semaphore_mem>>, %arg17: memref<!tpu.dma_semaphore, #tpu.memory_space<semaphore_mem>>, %arg18: memref<!tpu.dma_semaphore, #tpu.memory_space<semaphore_mem>>, %arg19: memref<!tpu.dma_semaphore, #tpu.memory_space<semaphore_mem>>, %arg20: memref<10112x128xf32, #tpu.memory_space<vmem_shared>>) attributes {dimension_semantics = [#tpu.dimension_semantics<core_parallel>, #tpu.dimension_semantics<subcore_parallel>], iteration_bounds = array<i64: 2, 16>, scalar_prefetch = 0 : i64, scratch_operands = 16 : i64, tpu.core_type = #tpu.core_type<sc_vector_subcore>, window_params = [{transform_indices = #map}, {transform_indices = #map1}, {transform_indices = #map2}]} {
    %mul3A = arith.constant 16 : i32
    %mul3A_0 = arith.muli %arg0, %mul3A : i32
    %add3A = arith.addi %mul3A_0, %arg1 : i32
    %run_scoped3A = arith.constant 0 : i32
    %run_scoped3A_1 = arith.constant 0 : i32
    %run_scoped3A_2 = arith.constant 0 : i32
    "tpu.region"() ({
      %run_scoped3A_139 = tpu.sem_alloc : memref<!tpu.dma_semaphore, #tpu.memory_space<semaphore_mem>>
      %dma_start3A_140 = arith.constant 0 : i32
      %dma_start3A_141 = arith.constant 0 : i32
      %dma_start3A_142 = tpu.memref_slice %arg5[%run_scoped3A_2, %dma_start3A_140, %dma_start3A_141] : memref<3x4x84xi32, #tpu.memory_space<vmem>> -> memref<1x4x84xi32, #tpu.memory_space<vmem>>
      %dma_start3A_143 = tpu.memref_squeeze %dma_start3A_142 : memref<1x4x84xi32, #tpu.memory_space<vmem>> -> memref<4x84xi32, #tpu.memory_space<vmem>>
      %dma_start3A_144 = arith.constant 0 : i32
      %dma_start3A_145 = arith.constant 0 : i32
      %dma_start3A_146 = tpu.memref_slice %arg2[%run_scoped3A, %add3A, %run_scoped3A_1, %dma_start3A_144, %dma_start3A_145] : memref<2x32x30x4x84xi32, #tpu.memory_space<hbm>> -> memref<1x1x1x4x84xi32, #tpu.memory_space<hbm>>
      %dma_start3A_147 = tpu.memref_squeeze %dma_start3A_146 : memref<1x1x1x4x84xi32, #tpu.memory_space<hbm>> -> memref<4x84xi32, #tpu.memory_space<hbm>>
      %dma_start3A_148 = arith.constant 0 : i32
      %dma_start3A_149 = arith.constant 0 : i32
      %dma_start3A_150 = tpu.memref_slice %arg5[%run_scoped3A_2, %dma_start3A_148, %dma_start3A_149] : memref<3x4x84xi32, #tpu.memory_space<vmem>> -> memref<1x4x84xi32, #tpu.memory_space<vmem>>
      %dma_start3A_151 = tpu.memref_squeeze %dma_start3A_150 : memref<1x4x84xi32, #tpu.memory_space<vmem>> -> memref<4x84xi32, #tpu.memory_space<vmem>>
      %dma_start3A_152 = arith.constant 0 : i32
      %dma_start3A_153 = arith.constant 0 : i32
      %dma_start3A_154 = tpu.memref_slice %arg2[%run_scoped3A, %add3A, %run_scoped3A_1, %dma_start3A_152, %dma_start3A_153] : memref<2x32x30x4x84xi32, #tpu.memory_space<hbm>> -> memref<1x1x1x4x84xi32, #tpu.memory_space<hbm>>
      %dma_start3A_155 = tpu.memref_squeeze %dma_start3A_154 : memref<1x1x1x4x84xi32, #tpu.memory_space<hbm>> -> memref<4x84xi32, #tpu.memory_space<hbm>>
      tpu.enqueue_dma source(%dma_start3A_155 : memref<4x84xi32, #tpu.memory_space<hbm>>) target(%dma_start3A_151 : memref<4x84xi32, #tpu.memory_space<vmem>>) target_semaphore(%run_scoped3A_139 : memref<!tpu.dma_semaphore, #tpu.memory_space<semaphore_mem>>)
      %dma_wait3A_156 = arith.constant 0 : i32
      %dma_wait3A_157 = arith.constant 0 : i32
      %dma_wait3A_158 = tpu.memref_slice %arg5[%run_scoped3A_2, %dma_wait3A_156, %dma_wait3A_157] : memref<3x4x84xi32, #tpu.memory_space<vmem>> -> memref<1x4x84xi32, #tpu.memory_space<vmem>>
      %dma_wait3A_159 = tpu.memref_squeeze %dma_wait3A_158 : memref<1x4x84xi32, #tpu.memory_space<vmem>> -> memref<4x84xi32, #tpu.memory_space<vmem>>
      %dma_wait3A_160 = arith.constant 0 : i32
      %dma_wait3A_161 = arith.constant 0 : i32
      %dma_wait3A_162 = tpu.memref_slice %arg2[%run_scoped3A, %add3A, %run_scoped3A_1, %dma_wait3A_160, %dma_wait3A_161] : memref<2x32x30x4x84xi32, #tpu.memory_space<hbm>> -> memref<1x1x1x4x84xi32, #tpu.memory_space<hbm>>
      %dma_wait3A_163 = tpu.memref_squeeze %dma_wait3A_162 : memref<1x1x1x4x84xi32, #tpu.memory_space<hbm>> -> memref<4x84xi32, #tpu.memory_space<hbm>>
      %dma_wait3A_164 = arith.constant 0 : i32
      %dma_wait3A_165 = arith.constant 0 : i32
      %dma_wait3A_166 = tpu.memref_slice %arg5[%run_scoped3A_2, %dma_wait3A_164, %dma_wait3A_165] : memref<3x4x84xi32, #tpu.memory_space<vmem>> -> memref<1x4x84xi32, #tpu.memory_space<vmem>>
      %dma_wait3A_167 = tpu.memref_squeeze %dma_wait3A_166 : memref<1x4x84xi32, #tpu.memory_space<vmem>> -> memref<4x84xi32, #tpu.memory_space<vmem>>
      %dma_wait3A_168 = arith.constant 0 : i32
      %dma_wait3A_169 = arith.constant 0 : i32
      %dma_wait3A_170 = tpu.memref_slice %arg2[%run_scoped3A, %add3A, %run_scoped3A_1, %dma_wait3A_168, %dma_wait3A_169] : memref<2x32x30x4x84xi32, #tpu.memory_space<hbm>> -> memref<1x1x1x4x84xi32, #tpu.memory_space<hbm>>
      %dma_wait3A_171 = tpu.memref_squeeze %dma_wait3A_170 : memref<1x1x1x4x84xi32, #tpu.memory_space<hbm>> -> memref<4x84xi32, #tpu.memory_space<hbm>>
      tpu.wait_dma2 semaphore(%run_scoped3A_139 : memref<!tpu.dma_semaphore, #tpu.memory_space<semaphore_mem>>) src(%dma_wait3A_171 : memref<4x84xi32, #tpu.memory_space<hbm>>) dst(%dma_wait3A_167 : memref<4x84xi32, #tpu.memory_space<vmem>>)
      tpu.yield
    }) : () -> ()
    %run_scoped3A_3 = arith.constant 1 : i32
    %run_scoped3A_4 = arith.constant 0 : i32
    %run_scoped3A_5 = arith.constant 0 : i32
    "tpu.region"() ({
      %run_scoped3A_139 = tpu.sem_alloc : memref<!tpu.dma_semaphore, #tpu.memory_space<semaphore_mem>>
      %dma_start3A_140 = arith.constant 0 : i32
      %dma_start3A_141 = arith.constant 0 : i32
      %dma_start3A_142 = tpu.memref_slice %arg6[%run_scoped3A_5, %dma_start3A_140, %dma_start3A_141] : memref<3x4x84xi32, #tpu.memory_space<vmem>> -> memref<1x4x84xi32, #tpu.memory_space<vmem>>
      %dma_start3A_143 = tpu.memref_squeeze %dma_start3A_142 : memref<1x4x84xi32, #tpu.memory_space<vmem>> -> memref<4x84xi32, #tpu.memory_space<vmem>>
      %dma_start3A_144 = arith.constant 0 : i32
      %dma_start3A_145 = arith.constant 0 : i32
      %dma_start3A_146 = tpu.memref_slice %arg2[%run_scoped3A_3, %add3A, %run_scoped3A_4, %dma_start3A_144, %dma_start3A_145] : memref<2x32x30x4x84xi32, #tpu.memory_space<hbm>> -> memref<1x1x1x4x84xi32, #tpu.memory_space<hbm>>
      %dma_start3A_147 = tpu.memref_squeeze %dma_start3A_146 : memref<1x1x1x4x84xi32, #tpu.memory_space<hbm>> -> memref<4x84xi32, #tpu.memory_space<hbm>>
      %dma_start3A_148 = arith.constant 0 : i32
      %dma_start3A_149 = arith.constant 0 : i32
      %dma_start3A_150 = tpu.memref_slice %arg6[%run_scoped3A_5, %dma_start3A_148, %dma_start3A_149] : memref<3x4x84xi32, #tpu.memory_space<vmem>> -> memref<1x4x84xi32, #tpu.memory_space<vmem>>
      %dma_start3A_151 = tpu.memref_squeeze %dma_start3A_150 : memref<1x4x84xi32, #tpu.memory_space<vmem>> -> memref<4x84xi32, #tpu.memory_space<vmem>>
      %dma_start3A_152 = arith.constant 0 : i32
      %dma_start3A_153 = arith.constant 0 : i32
      %dma_start3A_154 = tpu.memref_slice %arg2[%run_scoped3A_3, %add3A, %run_scoped3A_4, %dma_start3A_152, %dma_start3A_153] : memref<2x32x30x4x84xi32, #tpu.memory_space<hbm>> -> memref<1x1x1x4x84xi32, #tpu.memory_space<hbm>>
      %dma_start3A_155 = tpu.memref_squeeze %dma_start3A_154 : memref<1x1x1x4x84xi32, #tpu.memory_space<hbm>> -> memref<4x84xi32, #tpu.memory_space<hbm>>
      tpu.enqueue_dma source(%dma_start3A_155 : memref<4x84xi32, #tpu.memory_space<hbm>>) target(%dma_start3A_151 : memref<4x84xi32, #tpu.memory_space<vmem>>) target_semaphore(%run_scoped3A_139 : memref<!tpu.dma_semaphore, #tpu.memory_space<semaphore_mem>>)
      %dma_wait3A_156 = arith.constant 0 : i32
      %dma_wait3A_157 = arith.constant 0 : i32
      %dma_wait3A_158 = tpu.memref_slice %arg6[%run_scoped3A_5, %dma_wait3A_156, %dma_wait3A_157] : memref<3x4x84xi32, #tpu.memory_space<vmem>> -> memref<1x4x84xi32, #tpu.memory_space<vmem>>
      %dma_wait3A_159 = tpu.memref_squeeze %dma_wait3A_158 : memref<1x4x84xi32, #tpu.memory_space<vmem>> -> memref<4x84xi32, #tpu.memory_space<vmem>>
      %dma_wait3A_160 = arith.constant 0 : i32
      %dma_wait3A_161 = arith.constant 0 : i32
      %dma_wait3A_162 = tpu.memref_slice %arg2[%run_scoped3A_3, %add3A, %run_scoped3A_4, %dma_wait3A_160, %dma_wait3A_161] : memref<2x32x30x4x84xi32, #tpu.memory_space<hbm>> -> memref<1x1x1x4x84xi32, #tpu.memory_space<hbm>>
      %dma_wait3A_163 = tpu.memref_squeeze %dma_wait3A_162 : memref<1x1x1x4x84xi32, #tpu.memory_space<hbm>> -> memref<4x84xi32, #tpu.memory_space<hbm>>
      %dma_wait3A_164 = arith.constant 0 : i32
      %dma_wait3A_165 = arith.constant 0 : i32
      %dma_wait3A_166 = tpu.memref_slice %arg6[%run_scoped3A_5, %dma_wait3A_164, %dma_wait3A_165] : memref<3x4x84xi32, #tpu.memory_space<vmem>> -> memref<1x4x84xi32, #tpu.memory_space<vmem>>
      %dma_wait3A_167 = tpu.memref_squeeze %dma_wait3A_166 : memref<1x4x84xi32, #tpu.memory_space<vmem>> -> memref<4x84xi32, #tpu.memory_space<vmem>>
      %dma_wait3A_168 = arith.constant 0 : i32
      %dma_wait3A_169 = arith.constant 0 : i32
      %dma_wait3A_170 = tpu.memref_slice %arg2[%run_scoped3A_3, %add3A, %run_scoped3A_4, %dma_wait3A_168, %dma_wait3A_169] : memref<2x32x30x4x84xi32, #tpu.memory_space<hbm>> -> memref<1x1x1x4x84xi32, #tpu.memory_space<hbm>>
      %dma_wait3A_171 = tpu.memref_squeeze %dma_wait3A_170 : memref<1x1x1x4x84xi32, #tpu.memory_space<hbm>> -> memref<4x84xi32, #tpu.memory_space<hbm>>
      tpu.wait_dma2 semaphore(%run_scoped3A_139 : memref<!tpu.dma_semaphore, #tpu.memory_space<semaphore_mem>>) src(%dma_wait3A_171 : memref<4x84xi32, #tpu.memory_space<hbm>>) dst(%dma_wait3A_167 : memref<4x84xi32, #tpu.memory_space<vmem>>)
      tpu.yield
    }) : () -> ()
    %dma_start3A = arith.constant 0 : i32
    %dma_start3A_6 = arith.constant 1 : i32
    %dma_start3A_7 = arith.constant 1 : i32
    %dma_start3A_8 = arith.constant 0 : i32
    %dma_start3A_9 = arith.constant 0 : i32
    %dma_start3A_10 = tpu.memref_slice %arg5[%dma_start3A_7, %dma_start3A_8, %dma_start3A_9] : memref<3x4x84xi32, #tpu.memory_space<vmem>> -> memref<1x4x84xi32, #tpu.memory_space<vmem>>
    %dma_start3A_11 = tpu.memref_squeeze %dma_start3A_10 : memref<1x4x84xi32, #tpu.memory_space<vmem>> -> memref<4x84xi32, #tpu.memory_space<vmem>>
    %dma_start3A_12 = arith.constant 0 : i32
    %dma_start3A_13 = arith.constant 0 : i32
    %dma_start3A_14 = tpu.memref_slice %arg2[%dma_start3A, %add3A, %dma_start3A_6, %dma_start3A_12, %dma_start3A_13] : memref<2x32x30x4x84xi32, #tpu.memory_space<hbm>> -> memref<1x1x1x4x84xi32, #tpu.memory_space<hbm>>
    %dma_start3A_15 = tpu.memref_squeeze %dma_start3A_14 : memref<1x1x1x4x84xi32, #tpu.memory_space<hbm>> -> memref<4x84xi32, #tpu.memory_space<hbm>>
    %dma_start3A_16 = arith.constant 0 : i32
    %dma_start3A_17 = arith.constant 0 : i32
    %dma_start3A_18 = tpu.memref_slice %arg5[%dma_start3A_7, %dma_start3A_16, %dma_start3A_17] : memref<3x4x84xi32, #tpu.memory_space<vmem>> -> memref<1x4x84xi32, #tpu.memory_space<vmem>>
    %dma_start3A_19 = tpu.memref_squeeze %dma_start3A_18 : memref<1x4x84xi32, #tpu.memory_space<vmem>> -> memref<4x84xi32, #tpu.memory_space<vmem>>
    %dma_start3A_20 = arith.constant 0 : i32
    %dma_start3A_21 = arith.constant 0 : i32
    %dma_start3A_22 = tpu.memref_slice %arg2[%dma_start3A, %add3A, %dma_start3A_6, %dma_start3A_20, %dma_start3A_21] : memref<2x32x30x4x84xi32, #tpu.memory_space<hbm>> -> memref<1x1x1x4x84xi32, #tpu.memory_space<hbm>>
    %dma_start3A_23 = tpu.memref_squeeze %dma_start3A_22 : memref<1x1x1x4x84xi32, #tpu.memory_space<hbm>> -> memref<4x84xi32, #tpu.memory_space<hbm>>
    tpu.enqueue_dma source(%dma_start3A_23 : memref<4x84xi32, #tpu.memory_space<hbm>>) target(%dma_start3A_19 : memref<4x84xi32, #tpu.memory_space<vmem>>) target_semaphore(%arg19 : memref<!tpu.dma_semaphore, #tpu.memory_space<semaphore_mem>>)
    %dma_start3A_24 = arith.constant 1 : i32
    %dma_start3A_25 = arith.constant 1 : i32
    %dma_start3A_26 = arith.constant 1 : i32
    %dma_start3A_27 = arith.constant 0 : i32
    %dma_start3A_28 = arith.constant 0 : i32
    %dma_start3A_29 = tpu.memref_slice %arg6[%dma_start3A_26, %dma_start3A_27, %dma_start3A_28] : memref<3x4x84xi32, #tpu.memory_space<vmem>> -> memref<1x4x84xi32, #tpu.memory_space<vmem>>
    %dma_start3A_30 = tpu.memref_squeeze %dma_start3A_29 : memref<1x4x84xi32, #tpu.memory_space<vmem>> -> memref<4x84xi32, #tpu.memory_space<vmem>>
    %dma_start3A_31 = arith.constant 0 : i32
    %dma_start3A_32 = arith.constant 0 : i32
    %dma_start3A_33 = tpu.memref_slice %arg2[%dma_start3A_24, %add3A, %dma_start3A_25, %dma_start3A_31, %dma_start3A_32] : memref<2x32x30x4x84xi32, #tpu.memory_space<hbm>> -> memref<1x1x1x4x84xi32, #tpu.memory_space<hbm>>
    %dma_start3A_34 = tpu.memref_squeeze %dma_start3A_33 : memref<1x1x1x4x84xi32, #tpu.memory_space<hbm>> -> memref<4x84xi32, #tpu.memory_space<hbm>>
    %dma_start3A_35 = arith.constant 0 : i32
    %dma_start3A_36 = arith.constant 0 : i32
    %dma_start3A_37 = tpu.memref_slice %arg6[%dma_start3A_26, %dma_start3A_35, %dma_start3A_36] : memref<3x4x84xi32, #tpu.memory_space<vmem>> -> memref<1x4x84xi32, #tpu.memory_space<vmem>>
    %dma_start3A_38 = tpu.memref_squeeze %dma_start3A_37 : memref<1x4x84xi32, #tpu.memory_space<vmem>> -> memref<4x84xi32, #tpu.memory_space<vmem>>
    %dma_start3A_39 = arith.constant 0 : i32
    %dma_start3A_40 = arith.constant 0 : i32
    %dma_start3A_41 = tpu.memref_slice %arg2[%dma_start3A_24, %add3A, %dma_start3A_25, %dma_start3A_39, %dma_start3A_40] : memref<2x32x30x4x84xi32, #tpu.memory_space<hbm>> -> memref<1x1x1x4x84xi32, #tpu.memory_space<hbm>>
    %dma_start3A_42 = tpu.memref_squeeze %dma_start3A_41 : memref<1x1x1x4x84xi32, #tpu.memory_space<hbm>> -> memref<4x84xi32, #tpu.memory_space<hbm>>
    tpu.enqueue_dma source(%dma_start3A_42 : memref<4x84xi32, #tpu.memory_space<hbm>>) target(%dma_start3A_38 : memref<4x84xi32, #tpu.memory_space<vmem>>) target_semaphore(%arg19 : memref<!tpu.dma_semaphore, #tpu.memory_space<semaphore_mem>>)
    %dma_start3A_43 = arith.constant 0 : i32
    %dma_start3A_44 = arith.constant 0 : i32
    %dma_start3A_45 = arith.constant 0 : i32
    %dma_start3A_46 = tpu.memref_slice %arg5[%dma_start3A_43, %dma_start3A_44, %dma_start3A_45] : memref<3x4x84xi32, #tpu.memory_space<vmem>> -> memref<1x1x84xi32, #tpu.memory_space<vmem>>
    %dma_start3A_47 = tpu.memref_squeeze %dma_start3A_46 : memref<1x1x84xi32, #tpu.memory_space<vmem>> -> memref<84xi32, #tpu.memory_space<vmem>>
    %dma_start3A_48 = arith.constant 0 : i32
    %dma_start3A_49 = arith.constant 0 : i32
    %dma_start3A_50 = tpu.memref_slice %arg3[%dma_start3A_48, %dma_start3A_49] : memref<10000x128xf32, #tpu.memory_space<hbm>> -> memref<10000x128xf32, #tpu.memory_space<hbm>>
    tpu.enqueue_indirect_dma source(%dma_start3A_50 : memref<10000x128xf32, #tpu.memory_space<hbm>>) target(%arg7 : memref<84x128xf32, #tpu.memory_space<vmem>>) offsets(%dma_start3A_47 : memref<84xi32, #tpu.memory_space<vmem>>) semaphore(%arg11 : memref<!tpu.dma_semaphore, #tpu.memory_space<semaphore_mem>>)
    %dma_start3A_51 = arith.constant 0 : i32
    %dma_start3A_52 = arith.constant 1 : i32
    %dma_start3A_53 = arith.constant 0 : i32
    %dma_start3A_54 = tpu.memref_slice %arg5[%dma_start3A_51, %dma_start3A_52, %dma_start3A_53] : memref<3x4x84xi32, #tpu.memory_space<vmem>> -> memref<1x1x84xi32, #tpu.memory_space<vmem>>
    %dma_start3A_55 = tpu.memref_squeeze %dma_start3A_54 : memref<1x1x84xi32, #tpu.memory_space<vmem>> -> memref<84xi32, #tpu.memory_space<vmem>>
    %dma_start3A_56 = arith.constant 0 : i32
    %dma_start3A_57 = arith.constant 0 : i32
    %dma_start3A_58 = tpu.memref_slice %arg3[%dma_start3A_56, %dma_start3A_57] : memref<10000x128xf32, #tpu.memory_space<hbm>> -> memref<10000x128xf32, #tpu.memory_space<hbm>>
    tpu.enqueue_indirect_dma source(%dma_start3A_58 : memref<10000x128xf32, #tpu.memory_space<hbm>>) target(%arg8 : memref<84x128xf32, #tpu.memory_space<vmem>>) offsets(%dma_start3A_55 : memref<84xi32, #tpu.memory_space<vmem>>) semaphore(%arg12 : memref<!tpu.dma_semaphore, #tpu.memory_space<semaphore_mem>>)
    %broadcast_in_dim3A = arith.constant 0.000000e+00 : f32
    %broadcast_in_dim3A_59 = vector.broadcast %broadcast_in_dim3A : f32 to vector<16xf32>
    %scan3A = arith.constant 0 : i32
    %scan3A_60 = arith.constant 0 : i32
    %scan3A_61 = arith.constant 640 : i32
    %scan3A_62 = arith.addi %scan3A_60, %scan3A_61 : i32
    %scan3A_63 = arith.constant 1 : i32
    scf.for %scan3A_139 = %scan3A_60 to %scan3A_62 step %scan3A_63  : i32 {
      %jit3A = arith.constant 8 : i32
      %div3A = arith.divsi %scan3A_139, %jit3A : i32
      %sign3A = arith.constant 0 : i32
      %sign3A_140 = arith.cmpi sgt, %scan3A_139, %sign3A : i32
      %sign3A_141 = arith.extui %sign3A_140 : i1 to i32
      %sign3A_142 = arith.constant 0 : i32
      %sign3A_143 = arith.cmpi slt, %scan3A_139, %sign3A_142 : i32
      %sign3A_144 = arith.extui %sign3A_143 : i1 to i32
      %sign3A_145 = arith.subi %sign3A_141, %sign3A_144 : i32
      %sign3A_146 = arith.constant 0 : i32
      %sign3A_147 = arith.cmpi sgt, %jit3A, %sign3A_146 : i32
      %sign3A_148 = arith.extui %sign3A_147 : i1 to i32
      %sign3A_149 = arith.constant 0 : i32
      %sign3A_150 = arith.cmpi slt, %jit3A, %sign3A_149 : i32
      %sign3A_151 = arith.extui %sign3A_150 : i1 to i32
      %sign3A_152 = arith.subi %sign3A_148, %sign3A_151 : i32
      %ne3A = arith.cmpi ne, %sign3A_145, %sign3A_152 : i32
      %rem3A = arith.remsi %scan3A_139, %jit3A : i32
      %ne3A_153 = arith.constant 0 : i32
      %ne3A_154 = arith.cmpi ne, %rem3A, %ne3A_153 : i32
      %and3A = arith.andi %ne3A, %ne3A_154 : i1
      %sub3A = arith.constant 1 : i32
      %sub3A_155 = arith.subi %div3A, %sub3A : i32
      %select_n3A = arith.select %and3A, %sub3A_155, %div3A : i32
      %jit3A_156 = arith.constant 8 : i32
      %eq3A = arith.constant 0 : i32
      %eq3A_157 = arith.cmpi eq, %jit3A_156, %eq3A : i32
      %jit3A_158 = arith.constant 1 : i32
      %select_n3A_159 = arith.select %eq3A_157, %jit3A_158, %jit3A_156 : i32
      %rem3A_160 = arith.remsi %scan3A_139, %select_n3A_159 : i32
      %ne3A_161 = arith.constant 0 : i32
      %ne3A_162 = arith.cmpi ne, %rem3A_160, %ne3A_161 : i32
      %lt3A = arith.constant 0 : i32
      %lt3A_163 = arith.cmpi slt, %rem3A_160, %lt3A : i32
      %lt3A_164 = arith.constant 0 : i32
      %lt3A_165 = arith.cmpi slt, %select_n3A_159, %lt3A_164 : i32
      %ne3A_166 = arith.xori %lt3A_163, %lt3A_165 : i1
      %and3A_167 = arith.andi %ne3A_166, %ne3A_162 : i1
      %add3A_168 = arith.addi %rem3A_160, %select_n3A_159 : i32
      %select_n3A_169 = arith.select %and3A_167, %add3A_168, %rem3A_160 : i32
      %mul3A_170 = arith.constant 16 : i32
      %mul3A_171 = arith.muli %select_n3A_169, %mul3A_170 : i32
      %swap3A = arith.index_cast %select_n3A : i32 to index
      %swap3A_172 = arith.index_cast %mul3A_171 : i32 to index
      %swap3A_173 = tpu.vector_load %arg10[%swap3A, %swap3A_172] {strides = array<i32>} : memref<84x128xf32, #tpu.memory_space<vmem>>, vector<1x16xf32>,
      %swap3A_174 = vector.shape_cast %swap3A_173 : vector<1x16xf32> to vector<16xf32>
      %swap3A_175 = vector.shape_cast %broadcast_in_dim3A_59 : vector<16xf32> to vector<1x16xf32>
      tpu.vector_store %arg10[%swap3A, %swap3A_172], %swap3A_175 {strides = array<i32>} : memref<84x128xf32, #tpu.memory_space<vmem>>, vector<1x16xf32>,
    }
    %scan3A_64 = arith.constant 640 : i32
    %mul3A_65 = arith.constant 632 : i32
    %mul3A_66 = arith.muli %arg1, %mul3A_65 : i32
    %add3A_67 = arith.constant 0 : i32
    %add3A_68 = arith.addi %mul3A_66, %add3A_67 : i32
    "tpu.region"() ({
      %run_scoped3A_139 = tpu.sem_alloc : memref<!tpu.dma_semaphore, #tpu.memory_space<semaphore_mem>>
      %dma_start3A_140 = arith.constant 0 : i32
      %dma_start3A_141 = arith.constant 0 : i32
      %dma_start3A_142 = tpu.memref_slice %arg10[%dma_start3A_140, %dma_start3A_141] : memref<84x128xf32, #tpu.memory_space<vmem>> -> memref<80x128xf32, #tpu.memory_space<vmem>>
      %dma_start3A_143 = arith.constant 0 : i32
      %dma_start3A_144 = tpu.memref_slice %arg20[%add3A_68, %dma_start3A_143] : memref<10112x128xf32, #tpu.memory_space<vmem_shared>> -> memref<80x128xf32, #tpu.memory_space<vmem_shared>>
      %dma_start3A_145 = arith.constant 0 : i32
      %dma_start3A_146 = tpu.memref_slice %arg20[%add3A_68, %dma_start3A_145] : memref<10112x128xf32, #tpu.memory_space<vmem_shared>> -> memref<80x128xf32, #tpu.memory_space<vmem_shared>>
      %dma_start3A_147 = arith.constant 0 : i32
      %dma_start3A_148 = arith.constant 0 : i32
      %dma_start3A_149 = tpu.memref_slice %arg10[%dma_start3A_147, %dma_start3A_148] : memref<84x128xf32, #tpu.memory_space<vmem>> -> memref<80x128xf32, #tpu.memory_space<vmem>>
      tpu.enqueue_dma source(%dma_start3A_149 : memref<80x128xf32, #tpu.memory_space<vmem>>) target(%dma_start3A_146 : memref<80x128xf32, #tpu.memory_space<vmem_shared>>) target_semaphore(%run_scoped3A_139 : memref<!tpu.dma_semaphore, #tpu.memory_space<semaphore_mem>>)
      %dma_wait3A_150 = arith.constant 0 : i32
      %dma_wait3A_151 = arith.constant 0 : i32
      %dma_wait3A_152 = tpu.memref_slice %arg10[%dma_wait3A_150, %dma_wait3A_151] : memref<84x128xf32, #tpu.memory_space<vmem>> -> memref<80x128xf32, #tpu.memory_space<vmem>>
      %dma_wait3A_153 = arith.constant 0 : i32
      %dma_wait3A_154 = tpu.memref_slice %arg20[%add3A_68, %dma_wait3A_153] : memref<10112x128xf32, #tpu.memory_space<vmem_shared>> -> memref<80x128xf32, #tpu.memory_space<vmem_shared>>
      %dma_wait3A_155 = arith.constant 0 : i32
      %dma_wait3A_156 = tpu.memref_slice %arg20[%add3A_68, %dma_wait3A_155] : memref<10112x128xf32, #tpu.memory_space<vmem_shared>> -> memref<80x128xf32, #tpu.memory_space<vmem_shared>>
      %dma_wait3A_157 = arith.constant 0 : i32
      %dma_wait3A_158 = arith.constant 0 : i32
      %dma_wait3A_159 = tpu.memref_slice %arg10[%dma_wait3A_157, %dma_wait3A_158] : memref<84x128xf32, #tpu.memory_space<vmem>> -> memref<80x128xf32, #tpu.memory_space<vmem>>
      tpu.wait_dma2 semaphore(%run_scoped3A_139 : memref<!tpu.dma_semaphore, #tpu.memory_space<semaphore_mem>>) src(%dma_wait3A_159 : memref<80x128xf32, #tpu.memory_space<vmem>>) dst(%dma_wait3A_156 : memref<80x128xf32, #tpu.memory_space<vmem_shared>>)
      tpu.yield
    }) : () -> ()
    %mul3A_69 = arith.constant 632 : i32
    %mul3A_70 = arith.muli %arg1, %mul3A_69 : i32
    %add3A_71 = arith.constant 80 : i32
    %add3A_72 = arith.addi %mul3A_70, %add3A_71 : i32
    "tpu.region"() ({
      %run_scoped3A_139 = tpu.sem_alloc : memref<!tpu.dma_semaphore, #tpu.memory_space<semaphore_mem>>
      %dma_start3A_140 = arith.constant 0 : i32
      %dma_start3A_141 = arith.constant 0 : i32
      %dma_start3A_142 = tpu.memref_slice %arg10[%dma_start3A_140, %dma_start3A_141] : memref<84x128xf32, #tpu.memory_space<vmem>> -> memref<80x128xf32, #tpu.memory_space<vmem>>
      %dma_start3A_143 = arith.constant 0 : i32
      %dma_start3A_144 = tpu.memref_slice %arg20[%add3A_72, %dma_start3A_143] : memref<10112x128xf32, #tpu.memory_space<vmem_shared>> -> memref<80x128xf32, #tpu.memory_space<vmem_shared>>
      %dma_start3A_145 = arith.constant 0 : i32
      %dma_start3A_146 = tpu.memref_slice %arg20[%add3A_72, %dma_start3A_145] : memref<10112x128xf32, #tpu.memory_space<vmem_shared>> -> memref<80x128xf32, #tpu.memory_space<vmem_shared>>
      %dma_start3A_147 = arith.constant 0 : i32
      %dma_start3A_148 = arith.constant 0 : i32
      %dma_start3A_149 = tpu.memref_slice %arg10[%dma_start3A_147, %dma_start3A_148] : memref<84x128xf32, #tpu.memory_space<vmem>> -> memref<80x128xf32, #tpu.memory_space<vmem>>
      tpu.enqueue_dma source(%dma_start3A_149 : memref<80x128xf32, #tpu.memory_space<vmem>>) target(%dma_start3A_146 : memref<80x128xf32, #tpu.memory_space<vmem_shared>>) target_semaphore(%run_scoped3A_139 : memref<!tpu.dma_semaphore, #tpu.memory_space<semaphore_mem>>)
      %dma_wait3A_150 = arith.constant 0 : i32
      %dma_wait3A_151 = arith.constant 0 : i32
      %dma_wait3A_152 = tpu.memref_slice %arg10[%dma_wait3A_150, %dma_wait3A_151] : memref<84x128xf32, #tpu.memory_space<vmem>> -> memref<80x128xf32, #tpu.memory_space<vmem>>
      %dma_wait3A_153 = arith.constant 0 : i32
      %dma_wait3A_154 = tpu.memref_slice %arg20[%add3A_72, %dma_wait3A_153] : memref<10112x128xf32, #tpu.memory_space<vmem_shared>> -> memref<80x128xf32, #tpu.memory_space<vmem_shared>>
      %dma_wait3A_155 = arith.constant 0 : i32
      %dma_wait3A_156 = tpu.memref_slice %arg20[%add3A_72, %dma_wait3A_155] : memref<10112x128xf32, #tpu.memory_space<vmem_shared>> -> memref<80x128xf32, #tpu.memory_space<vmem_shared>>
      %dma_wait3A_157 = arith.constant 0 : i32
      %dma_wait3A_158 = arith.constant 0 : i32
      %dma_wait3A_159 = tpu.memref_slice %arg10[%dma_wait3A_157, %dma_wait3A_158] : memref<84x128xf32, #tpu.memory_space<vmem>> -> memref<80x128xf32, #tpu.memory_space<vmem>>
      tpu.wait_dma2 semaphore(%run_scoped3A_139 : memref<!tpu.dma_semaphore, #tpu.memory_space<semaphore_mem>>) src(%dma_wait3A_159 : memref<80x128xf32, #tpu.memory_space<vmem>>) dst(%dma_wait3A_156 : memref<80x128xf32, #tpu.memory_space<vmem_shared>>)
      tpu.yield
    }) : () -> ()
    %mul3A_73 = arith.constant 632 : i32
    %mul3A_74 = arith.muli %arg1, %mul3A_73 : i32
    %add3A_75 = arith.constant 160 : i32
    %add3A_76 = arith.addi %mul3A_74, %add3A_75 : i32
    "tpu.region"() ({
      %run_scoped3A_139 = tpu.sem_alloc : memref<!tpu.dma_semaphore, #tpu.memory_space<semaphore_mem>>
      %dma_start3A_140 = arith.constant 0 : i32
      %dma_start3A_141 = arith.constant 0 : i32
      %dma_start3A_142 = tpu.memref_slice %arg10[%dma_start3A_140, %dma_start3A_141] : memref<84x128xf32, #tpu.memory_space<vmem>> -> memref<80x128xf32, #tpu.memory_space<vmem>>
      %dma_start3A_143 = arith.constant 0 : i32
      %dma_start3A_144 = tpu.memref_slice %arg20[%add3A_76, %dma_start3A_143] : memref<10112x128xf32, #tpu.memory_space<vmem_shared>> -> memref<80x128xf32, #tpu.memory_space<vmem_shared>>
      %dma_start3A_145 = arith.constant 0 : i32
      %dma_start3A_146 = tpu.memref_slice %arg20[%add3A_76, %dma_start3A_145] : memref<10112x128xf32, #tpu.memory_space<vmem_shared>> -> memref<80x128xf32, #tpu.memory_space<vmem_shared>>
      %dma_start3A_147 = arith.constant 0 : i32
      %dma_start3A_148 = arith.constant 0 : i32
      %dma_start3A_149 = tpu.memref_slice %arg10[%dma_start3A_147, %dma_start3A_148] : memref<84x128xf32, #tpu.memory_space<vmem>> -> memref<80x128xf32, #tpu.memory_space<vmem>>
      tpu.enqueue_dma source(%dma_start3A_149 : memref<80x128xf32, #tpu.memory_space<vmem>>) target(%dma_start3A_146 : memref<80x128xf32, #tpu.memory_space<vmem_shared>>) target_semaphore(%run_scoped3A_139 : memref<!tpu.dma_semaphore, #tpu.memory_space<semaphore_mem>>)
      %dma_wait3A_150 = arith.constant 0 : i32
      %dma_wait3A_151 = arith.constant 0 : i32
      %dma_wait3A_152 = tpu.memref_slice %arg10[%dma_wait3A_150, %dma_wait3A_151] : memref<84x128xf32, #tpu.memory_space<vmem>> -> memref<80x128xf32, #tpu.memory_space<vmem>>
      %dma_wait3A_153 = arith.constant 0 : i32
      %dma_wait3A_154 = tpu.memref_slice %arg20[%add3A_76, %dma_wait3A_153] : memref<10112x128xf32, #tpu.memory_space<vmem_shared>> -> memref<80x128xf32, #tpu.memory_space<vmem_shared>>
      %dma_wait3A_155 = arith.constant 0 : i32
      %dma_wait3A_156 = tpu.memref_slice %arg20[%add3A_76, %dma_wait3A_155] : memref<10112x128xf32, #tpu.memory_space<vmem_shared>> -> memref<80x128xf32, #tpu.memory_space<vmem_shared>>
      %dma_wait3A_157 = arith.constant 0 : i32
      %dma_wait3A_158 = arith.constant 0 : i32
      %dma_wait3A_159 = tpu.memref_slice %arg10[%dma_wait3A_157, %dma_wait3A_158] : memref<84x128xf32, #tpu.memory_space<vmem>> -> memref<80x128xf32, #tpu.memory_space<vmem>>
      tpu.wait_dma2 semaphore(%run_scoped3A_139 : memref<!tpu.dma_semaphore, #tpu.memory_space<semaphore_mem>>) src(%dma_wait3A_159 : memref<80x128xf32, #tpu.memory_space<vmem>>) dst(%dma_wait3A_156 : memref<80x128xf32, #tpu.memory_space<vmem_shared>>)
      tpu.yield
    }) : () -> ()
    %mul3A_77 = arith.constant 632 : i32
    %mul3A_78 = arith.muli %arg1, %mul3A_77 : i32
    %add3A_79 = arith.constant 240 : i32
    %add3A_80 = arith.addi %mul3A_78, %add3A_79 : i32
    "tpu.region"() ({
      %run_scoped3A_139 = tpu.sem_alloc : memref<!tpu.dma_semaphore, #tpu.memory_space<semaphore_mem>>
      %dma_start3A_140 = arith.constant 0 : i32
      %dma_start3A_141 = arith.constant 0 : i32
      %dma_start3A_142 = tpu.memref_slice %arg10[%dma_start3A_140, %dma_start3A_141] : memref<84x128xf32, #tpu.memory_space<vmem>> -> memref<80x128xf32, #tpu.memory_space<vmem>>
      %dma_start3A_143 = arith.constant 0 : i32
      %dma_start3A_144 = tpu.memref_slice %arg20[%add3A_80, %dma_start3A_143] : memref<10112x128xf32, #tpu.memory_space<vmem_shared>> -> memref<80x128xf32, #tpu.memory_space<vmem_shared>>
      %dma_start3A_145 = arith.constant 0 : i32
      %dma_start3A_146 = tpu.memref_slice %arg20[%add3A_80, %dma_start3A_145] : memref<10112x128xf32, #tpu.memory_space<vmem_shared>> -> memref<80x128xf32, #tpu.memory_space<vmem_shared>>
      %dma_start3A_147 = arith.constant 0 : i32
      %dma_start3A_148 = arith.constant 0 : i32
      %dma_start3A_149 = tpu.memref_slice %arg10[%dma_start3A_147, %dma_start3A_148] : memref<84x128xf32, #tpu.memory_space<vmem>> -> memref<80x128xf32, #tpu.memory_space<vmem>>
      tpu.enqueue_dma source(%dma_start3A_149 : memref<80x128xf32, #tpu.memory_space<vmem>>) target(%dma_start3A_146 : memref<80x128xf32, #tpu.memory_space<vmem_shared>>) target_semaphore(%run_scoped3A_139 : memref<!tpu.dma_semaphore, #tpu.memory_space<semaphore_mem>>)
      %dma_wait3A_150 = arith.constant 0 : i32
      %dma_wait3A_151 = arith.constant 0 : i32
      %dma_wait3A_152 = tpu.memref_slice %arg10[%dma_wait3A_150, %dma_wait3A_151] : memref<84x128xf32, #tpu.memory_space<vmem>> -> memref<80x128xf32, #tpu.memory_space<vmem>>
      %dma_wait3A_153 = arith.constant 0 : i32
      %dma_wait3A_154 = tpu.memref_slice %arg20[%add3A_80, %dma_wait3A_153] : memref<10112x128xf32, #tpu.memory_space<vmem_shared>> -> memref<80x128xf32, #tpu.memory_space<vmem_shared>>
      %dma_wait3A_155 = arith.constant 0 : i32
      %dma_wait3A_156 = tpu.memref_slice %arg20[%add3A_80, %dma_wait3A_155] : memref<10112x128xf32, #tpu.memory_space<vmem_shared>> -> memref<80x128xf32, #tpu.memory_space<vmem_shared>>
      %dma_wait3A_157 = arith.constant 0 : i32
      %dma_wait3A_158 = arith.constant 0 : i32
      %dma_wait3A_159 = tpu.memref_slice %arg10[%dma_wait3A_157, %dma_wait3A_158] : memref<84x128xf32, #tpu.memory_space<vmem>> -> memref<80x128xf32, #tpu.memory_space<vmem>>
      tpu.wait_dma2 semaphore(%run_scoped3A_139 : memref<!tpu.dma_semaphore, #tpu.memory_space<semaphore_mem>>) src(%dma_wait3A_159 : memref<80x128xf32, #tpu.memory_space<vmem>>) dst(%dma_wait3A_156 : memref<80x128xf32, #tpu.memory_space<vmem_shared>>)
      tpu.yield
    }) : () -> ()
    %mul3A_81 = arith.constant 632 : i32
    %mul3A_82 = arith.muli %arg1, %mul3A_81 : i32
    %add3A_83 = arith.constant 320 : i32
    %add3A_84 = arith.addi %mul3A_82, %add3A_83 : i32
    "tpu.region"() ({
      %run_scoped3A_139 = tpu.sem_alloc : memref<!tpu.dma_semaphore, #tpu.memory_space<semaphore_mem>>
      %dma_start3A_140 = arith.constant 0 : i32
      %dma_start3A_141 = arith.constant 0 : i32
      %dma_start3A_142 = tpu.memref_slice %arg10[%dma_start3A_140, %dma_start3A_141] : memref<84x128xf32, #tpu.memory_space<vmem>> -> memref<80x128xf32, #tpu.memory_space<vmem>>
      %dma_start3A_143 = arith.constant 0 : i32
      %dma_start3A_144 = tpu.memref_slice %arg20[%add3A_84, %dma_start3A_143] : memref<10112x128xf32, #tpu.memory_space<vmem_shared>> -> memref<80x128xf32, #tpu.memory_space<vmem_shared>>
      %dma_start3A_145 = arith.constant 0 : i32
      %dma_start3A_146 = tpu.memref_slice %arg20[%add3A_84, %dma_start3A_145] : memref<10112x128xf32, #tpu.memory_space<vmem_shared>> -> memref<80x128xf32, #tpu.memory_space<vmem_shared>>
      %dma_start3A_147 = arith.constant 0 : i32
      %dma_start3A_148 = arith.constant 0 : i32
      %dma_start3A_149 = tpu.memref_slice %arg10[%dma_start3A_147, %dma_start3A_148] : memref<84x128xf32, #tpu.memory_space<vmem>> -> memref<80x128xf32, #tpu.memory_space<vmem>>
      tpu.enqueue_dma source(%dma_start3A_149 : memref<80x128xf32, #tpu.memory_space<vmem>>) target(%dma_start3A_146 : memref<80x128xf32, #tpu.memory_space<vmem_shared>>) target_semaphore(%run_scoped3A_139 : memref<!tpu.dma_semaphore, #tpu.memory_space<semaphore_mem>>)
      %dma_wait3A_150 = arith.constant 0 : i32
      %dma_wait3A_151 = arith.constant 0 : i32
      %dma_wait3A_152 = tpu.memref_slice %arg10[%dma_wait3A_150, %dma_wait3A_151] : memref<84x128xf32, #tpu.memory_space<vmem>> -> memref<80x128xf32, #tpu.memory_space<vmem>>
      %dma_wait3A_153 = arith.constant 0 : i32
      %dma_wait3A_154 = tpu.memref_slice %arg20[%add3A_84, %dma_wait3A_153] : memref<10112x128xf32, #tpu.memory_space<vmem_shared>> -> memref<80x128xf32, #tpu.memory_space<vmem_shared>>
      %dma_wait3A_155 = arith.constant 0 : i32
      %dma_wait3A_156 = tpu.memref_slice %arg20[%add3A_84, %dma_wait3A_155] : memref<10112x128xf32, #tpu.memory_space<vmem_shared>> -> memref<80x128xf32, #tpu.memory_space<vmem_shared>>
      %dma_wait3A_157 = arith.constant 0 : i32
      %dma_wait3A_158 = arith.constant 0 : i32
      %dma_wait3A_159 = tpu.memref_slice %arg10[%dma_wait3A_157, %dma_wait3A_158] : memref<84x128xf32, #tpu.memory_space<vmem>> -> memref<80x128xf32, #tpu.memory_space<vmem>>
      tpu.wait_dma2 semaphore(%run_scoped3A_139 : memref<!tpu.dma_semaphore, #tpu.memory_space<semaphore_mem>>) src(%dma_wait3A_159 : memref<80x128xf32, #tpu.memory_space<vmem>>) dst(%dma_wait3A_156 : memref<80x128xf32, #tpu.memory_space<vmem_shared>>)
      tpu.yield
    }) : () -> ()
    %mul3A_85 = arith.constant 632 : i32
    %mul3A_86 = arith.muli %arg1, %mul3A_85 : i32
    %add3A_87 = arith.constant 400 : i32
    %add3A_88 = arith.addi %mul3A_86, %add3A_87 : i32
    "tpu.region"() ({
      %run_scoped3A_139 = tpu.sem_alloc : memref<!tpu.dma_semaphore, #tpu.memory_space<semaphore_mem>>
      %dma_start3A_140 = arith.constant 0 : i32
      %dma_start3A_141 = arith.constant 0 : i32
      %dma_start3A_142 = tpu.memref_slice %arg10[%dma_start3A_140, %dma_start3A_141] : memref<84x128xf32, #tpu.memory_space<vmem>> -> memref<80x128xf32, #tpu.memory_space<vmem>>
      %dma_start3A_143 = arith.constant 0 : i32
      %dma_start3A_144 = tpu.memref_slice %arg20[%add3A_88, %dma_start3A_143] : memref<10112x128xf32, #tpu.memory_space<vmem_shared>> -> memref<80x128xf32, #tpu.memory_space<vmem_shared>>
      %dma_start3A_145 = arith.constant 0 : i32
      %dma_start3A_146 = tpu.memref_slice %arg20[%add3A_88, %dma_start3A_145] : memref<10112x128xf32, #tpu.memory_space<vmem_shared>> -> memref<80x128xf32, #tpu.memory_space<vmem_shared>>
      %dma_start3A_147 = arith.constant 0 : i32
      %dma_start3A_148 = arith.constant 0 : i32
      %dma_start3A_149 = tpu.memref_slice %arg10[%dma_start3A_147, %dma_start3A_148] : memref<84x128xf32, #tpu.memory_space<vmem>> -> memref<80x128xf32, #tpu.memory_space<vmem>>
      tpu.enqueue_dma source(%dma_start3A_149 : memref<80x128xf32, #tpu.memory_space<vmem>>) target(%dma_start3A_146 : memref<80x128xf32, #tpu.memory_space<vmem_shared>>) target_semaphore(%run_scoped3A_139 : memref<!tpu.dma_semaphore, #tpu.memory_space<semaphore_mem>>)
      %dma_wait3A_150 = arith.constant 0 : i32
      %dma_wait3A_151 = arith.constant 0 : i32
      %dma_wait3A_152 = tpu.memref_slice %arg10[%dma_wait3A_150, %dma_wait3A_151] : memref<84x128xf32, #tpu.memory_space<vmem>> -> memref<80x128xf32, #tpu.memory_space<vmem>>
      %dma_wait3A_153 = arith.constant 0 : i32
      %dma_wait3A_154 = tpu.memref_slice %arg20[%add3A_88, %dma_wait3A_153] : memref<10112x128xf32, #tpu.memory_space<vmem_shared>> -> memref<80x128xf32, #tpu.memory_space<vmem_shared>>
      %dma_wait3A_155 = arith.constant 0 : i32
      %dma_wait3A_156 = tpu.memref_slice %arg20[%add3A_88, %dma_wait3A_155] : memref<10112x128xf32, #tpu.memory_space<vmem_shared>> -> memref<80x128xf32, #tpu.memory_space<vmem_shared>>
      %dma_wait3A_157 = arith.constant 0 : i32
      %dma_wait3A_158 = arith.constant 0 : i32
      %dma_wait3A_159 = tpu.memref_slice %arg10[%dma_wait3A_157, %dma_wait3A_158] : memref<84x128xf32, #tpu.memory_space<vmem>> -> memref<80x128xf32, #tpu.memory_space<vmem>>
      tpu.wait_dma2 semaphore(%run_scoped3A_139 : memref<!tpu.dma_semaphore, #tpu.memory_space<semaphore_mem>>) src(%dma_wait3A_159 : memref<80x128xf32, #tpu.memory_space<vmem>>) dst(%dma_wait3A_156 : memref<80x128xf32, #tpu.memory_space<vmem_shared>>)
      tpu.yield
    }) : () -> ()
    %mul3A_89 = arith.constant 632 : i32
    %mul3A_90 = arith.muli %arg1, %mul3A_89 : i32
    %add3A_91 = arith.constant 480 : i32
    %add3A_92 = arith.addi %mul3A_90, %add3A_91 : i32
    "tpu.region"() ({
      %run_scoped3A_139 = tpu.sem_alloc : memref<!tpu.dma_semaphore, #tpu.memory_space<semaphore_mem>>
      %dma_start3A_140 = arith.constant 0 : i32
      %dma_start3A_141 = arith.constant 0 : i32
      %dma_start3A_142 = tpu.memref_slice %arg10[%dma_start3A_140, %dma_start3A_141] : memref<84x128xf32, #tpu.memory_space<vmem>> -> memref<80x128xf32, #tpu.memory_space<vmem>>
      %dma_start3A_143 = arith.constant 0 : i32
      %dma_start3A_144 = tpu.memref_slice %arg20[%add3A_92, %dma_start3A_143] : memref<10112x128xf32, #tpu.memory_space<vmem_shared>> -> memref<80x128xf32, #tpu.memory_space<vmem_shared>>
      %dma_start3A_145 = arith.constant 0 : i32
      %dma_start3A_146 = tpu.memref_slice %arg20[%add3A_92, %dma_start3A_145] : memref<10112x128xf32, #tpu.memory_space<vmem_shared>> -> memref<80x128xf32, #tpu.memory_space<vmem_shared>>
      %dma_start3A_147 = arith.constant 0 : i32
      %dma_start3A_148 = arith.constant 0 : i32
      %dma_start3A_149 = tpu.memref_slice %arg10[%dma_start3A_147, %dma_start3A_148] : memref<84x128xf32, #tpu.memory_space<vmem>> -> memref<80x128xf32, #tpu.memory_space<vmem>>
      tpu.enqueue_dma source(%dma_start3A_149 : memref<80x128xf32, #tpu.memory_space<vmem>>) target(%dma_start3A_146 : memref<80x128xf32, #tpu.memory_space<vmem_shared>>) target_semaphore(%run_scoped3A_139 : memref<!tpu.dma_semaphore, #tpu.memory_space<semaphore_mem>>)
      %dma_wait3A_150 = arith.constant 0 : i32
      %dma_wait3A_151 = arith.constant 0 : i32
      %dma_wait3A_152 = tpu.memref_slice %arg10[%dma_wait3A_150, %dma_wait3A_151] : memref<84x128xf32, #tpu.memory_space<vmem>> -> memref<80x128xf32, #tpu.memory_space<vmem>>
      %dma_wait3A_153 = arith.constant 0 : i32
      %dma_wait3A_154 = tpu.memref_slice %arg20[%add3A_92, %dma_wait3A_153] : memref<10112x128xf32, #tpu.memory_space<vmem_shared>> -> memref<80x128xf32, #tpu.memory_space<vmem_shared>>
      %dma_wait3A_155 = arith.constant 0 : i32
      %dma_wait3A_156 = tpu.memref_slice %arg20[%add3A_92, %dma_wait3A_155] : memref<10112x128xf32, #tpu.memory_space<vmem_shared>> -> memref<80x128xf32, #tpu.memory_space<vmem_shared>>
      %dma_wait3A_157 = arith.constant 0 : i32
      %dma_wait3A_158 = arith.constant 0 : i32
      %dma_wait3A_159 = tpu.memref_slice %arg10[%dma_wait3A_157, %dma_wait3A_158] : memref<84x128xf32, #tpu.memory_space<vmem>> -> memref<80x128xf32, #tpu.memory_space<vmem>>
      tpu.wait_dma2 semaphore(%run_scoped3A_139 : memref<!tpu.dma_semaphore, #tpu.memory_space<semaphore_mem>>) src(%dma_wait3A_159 : memref<80x128xf32, #tpu.memory_space<vmem>>) dst(%dma_wait3A_156 : memref<80x128xf32, #tpu.memory_space<vmem_shared>>)
      tpu.yield
    }) : () -> ()
    %mul3A_93 = arith.constant 632 : i32
    %mul3A_94 = arith.muli %arg1, %mul3A_93 : i32
    %add3A_95 = arith.constant 560 : i32
    %add3A_96 = arith.addi %mul3A_94, %add3A_95 : i32
    "tpu.region"() ({
      %run_scoped3A_139 = tpu.sem_alloc : memref<!tpu.dma_semaphore, #tpu.memory_space<semaphore_mem>>
      %dma_start3A_140 = arith.constant 0 : i32
      %dma_start3A_141 = arith.constant 0 : i32
      %dma_start3A_142 = tpu.memref_slice %arg10[%dma_start3A_140, %dma_start3A_141] : memref<84x128xf32, #tpu.memory_space<vmem>> -> memref<72x128xf32, #tpu.memory_space<vmem>>
      %dma_start3A_143 = arith.constant 0 : i32
      %dma_start3A_144 = tpu.memref_slice %arg20[%add3A_96, %dma_start3A_143] : memref<10112x128xf32, #tpu.memory_space<vmem_shared>> -> memref<72x128xf32, #tpu.memory_space<vmem_shared>>
      %dma_start3A_145 = arith.constant 0 : i32
      %dma_start3A_146 = tpu.memref_slice %arg20[%add3A_96, %dma_start3A_145] : memref<10112x128xf32, #tpu.memory_space<vmem_shared>> -> memref<72x128xf32, #tpu.memory_space<vmem_shared>>
      %dma_start3A_147 = arith.constant 0 : i32
      %dma_start3A_148 = arith.constant 0 : i32
      %dma_start3A_149 = tpu.memref_slice %arg10[%dma_start3A_147, %dma_start3A_148] : memref<84x128xf32, #tpu.memory_space<vmem>> -> memref<72x128xf32, #tpu.memory_space<vmem>>
      tpu.enqueue_dma source(%dma_start3A_149 : memref<72x128xf32, #tpu.memory_space<vmem>>) target(%dma_start3A_146 : memref<72x128xf32, #tpu.memory_space<vmem_shared>>) target_semaphore(%run_scoped3A_139 : memref<!tpu.dma_semaphore, #tpu.memory_space<semaphore_mem>>)
      %dma_wait3A_150 = arith.constant 0 : i32
      %dma_wait3A_151 = arith.constant 0 : i32
      %dma_wait3A_152 = tpu.memref_slice %arg10[%dma_wait3A_150, %dma_wait3A_151] : memref<84x128xf32, #tpu.memory_space<vmem>> -> memref<72x128xf32, #tpu.memory_space<vmem>>
      %dma_wait3A_153 = arith.constant 0 : i32
      %dma_wait3A_154 = tpu.memref_slice %arg20[%add3A_96, %dma_wait3A_153] : memref<10112x128xf32, #tpu.memory_space<vmem_shared>> -> memref<72x128xf32, #tpu.memory_space<vmem_shared>>
      %dma_wait3A_155 = arith.constant 0 : i32
      %dma_wait3A_156 = tpu.memref_slice %arg20[%add3A_96, %dma_wait3A_155] : memref<10112x128xf32, #tpu.memory_space<vmem_shared>> -> memref<72x128xf32, #tpu.memory_space<vmem_shared>>
      %dma_wait3A_157 = arith.constant 0 : i32
      %dma_wait3A_158 = arith.constant 0 : i32
      %dma_wait3A_159 = tpu.memref_slice %arg10[%dma_wait3A_157, %dma_wait3A_158] : memref<84x128xf32, #tpu.memory_space<vmem>> -> memref<72x128xf32, #tpu.memory_space<vmem>>
      tpu.wait_dma2 semaphore(%run_scoped3A_139 : memref<!tpu.dma_semaphore, #tpu.memory_space<semaphore_mem>>) src(%dma_wait3A_159 : memref<72x128xf32, #tpu.memory_space<vmem>>) dst(%dma_wait3A_156 : memref<72x128xf32, #tpu.memory_space<vmem_shared>>)
      tpu.yield
    }) : () -> ()
    %barrier3A = arith.constant 0 : index
    tpu.barrier barrier_id(%barrier3A)
    %scan3A_97 = arith.constant 0 : i32
    %scan3A_98 = arith.constant 0 : i32
    %scan3A_99 = arith.constant 30 : i32
    %scan3A_100 = arith.addi %scan3A_98, %scan3A_99 : i32
    %scan3A_101 = arith.constant 1 : i32
    scf.for %scan3A_139 = %scan3A_98 to %scan3A_100 step %scan3A_101  : i32 {
      %rem3A = arith.constant 3 : i32
      %rem3A_140 = arith.remsi %scan3A_139, %rem3A : i32
      %add3A_141 = arith.constant 1 : i32
      %add3A_142 = arith.addi %scan3A_139, %add3A_141 : i32
      %rem3A_143 = arith.constant 3 : i32
      %rem3A_144 = arith.remsi %add3A_142, %rem3A_143 : i32
      %gt3A = arith.constant 0 : i32
      %gt3A_145 = arith.cmpi sgt, %scan3A_139, %gt3A : i32
      %convert_element_type3A = arith.extui %gt3A_145 : i1 to i32
      %cond3A = arith.constant 0 : i32
      %cond3A_146 = arith.cmpi ne, %convert_element_type3A, %cond3A : i32
      scf.if %cond3A_146 {
        %dma_wait3A_241 = arith.constant 0 : i32
        %dma_wait3A_242 = arith.constant 0 : i32
        %dma_wait3A_243 = arith.constant 0 : i32
        %dma_wait3A_244 = tpu.memref_slice %arg6[%dma_wait3A_241, %dma_wait3A_242, %dma_wait3A_243] : memref<3x4x84xi32, #tpu.memory_space<vmem>> -> memref<1x1x84xi32, #tpu.memory_space<vmem>>
        %dma_wait3A_245 = tpu.memref_squeeze %dma_wait3A_244 : memref<1x1x84xi32, #tpu.memory_space<vmem>> -> memref<84xi32, #tpu.memory_space<vmem>>
        %dma_wait3A_246 = arith.constant 0 : i32
        %dma_wait3A_247 = arith.constant 0 : i32
        %dma_wait3A_248 = tpu.memref_slice %arg20[%dma_wait3A_246, %dma_wait3A_247] : memref<10112x128xf32, #tpu.memory_space<vmem_shared>> -> memref<10112x128xf32, #tpu.memory_space<vmem_shared>>
        tpu.wait_indirect_dma semaphore(%arg17 : memref<!tpu.dma_semaphore, #tpu.memory_space<semaphore_mem>>) src(%arg9 : memref<84x128xf32, #tpu.memory_space<vmem>>) dst(%dma_wait3A_248 : memref<10112x128xf32, #tpu.memory_space<vmem_shared>>)
      } else {
      }
      %dma_start3A_147 = arith.constant 2 : i32
      %dma_start3A_148 = arith.constant 0 : i32
      %dma_start3A_149 = tpu.memref_slice %arg5[%rem3A_140, %dma_start3A_147, %dma_start3A_148] : memref<3x4x84xi32, #tpu.memory_space<vmem>> -> memref<1x1x84xi32, #tpu.memory_space<vmem>>
      %dma_start3A_150 = tpu.memref_squeeze %dma_start3A_149 : memref<1x1x84xi32, #tpu.memory_space<vmem>> -> memref<84xi32, #tpu.memory_space<vmem>>
      %dma_start3A_151 = arith.constant 0 : i32
      %dma_start3A_152 = arith.constant 0 : i32
      %dma_start3A_153 = tpu.memref_slice %arg3[%dma_start3A_151, %dma_start3A_152] : memref<10000x128xf32, #tpu.memory_space<hbm>> -> memref<10000x128xf32, #tpu.memory_space<hbm>>
      tpu.enqueue_indirect_dma source(%dma_start3A_153 : memref<10000x128xf32, #tpu.memory_space<hbm>>) target(%arg9 : memref<84x128xf32, #tpu.memory_space<vmem>>) offsets(%dma_start3A_150 : memref<84xi32, #tpu.memory_space<vmem>>) semaphore(%arg13 : memref<!tpu.dma_semaphore, #tpu.memory_space<semaphore_mem>>)
      %dma_wait3A_154 = arith.constant 0 : i32
      %dma_wait3A_155 = arith.constant 0 : i32
      %dma_wait3A_156 = tpu.memref_slice %arg5[%rem3A_140, %dma_wait3A_154, %dma_wait3A_155] : memref<3x4x84xi32, #tpu.memory_space<vmem>> -> memref<1x1x84xi32, #tpu.memory_space<vmem>>
      %dma_wait3A_157 = tpu.memref_squeeze %dma_wait3A_156 : memref<1x1x84xi32, #tpu.memory_space<vmem>> -> memref<84xi32, #tpu.memory_space<vmem>>
      %dma_wait3A_158 = arith.constant 0 : i32
      %dma_wait3A_159 = arith.constant 0 : i32
      %dma_wait3A_160 = tpu.memref_slice %arg3[%dma_wait3A_158, %dma_wait3A_159] : memref<10000x128xf32, #tpu.memory_space<hbm>> -> memref<10000x128xf32, #tpu.memory_space<hbm>>
      tpu.wait_indirect_dma semaphore(%arg11 : memref<!tpu.dma_semaphore, #tpu.memory_space<semaphore_mem>>) src(%dma_wait3A_160 : memref<10000x128xf32, #tpu.memory_space<hbm>>) dst(%arg7 : memref<84x128xf32, #tpu.memory_space<vmem>>)
      %dma_start3A_161 = arith.constant 0 : i32
      %dma_start3A_162 = arith.constant 0 : i32
      %dma_start3A_163 = tpu.memref_slice %arg6[%rem3A_140, %dma_start3A_161, %dma_start3A_162] : memref<3x4x84xi32, #tpu.memory_space<vmem>> -> memref<1x1x84xi32, #tpu.memory_space<vmem>>
      %dma_start3A_164 = tpu.memref_squeeze %dma_start3A_163 : memref<1x1x84xi32, #tpu.memory_space<vmem>> -> memref<84xi32, #tpu.memory_space<vmem>>
      %dma_start3A_165 = arith.constant 0 : i32
      %dma_start3A_166 = arith.constant 0 : i32
      %dma_start3A_167 = tpu.memref_slice %arg20[%dma_start3A_165, %dma_start3A_166] : memref<10112x128xf32, #tpu.memory_space<vmem_shared>> -> memref<10112x128xf32, #tpu.memory_space<vmem_shared>>
      tpu.enqueue_indirect_dma source(%arg7 : memref<84x128xf32, #tpu.memory_space<vmem>>) target(%dma_start3A_167 : memref<10112x128xf32, #tpu.memory_space<vmem_shared>>) offsets(%dma_start3A_164 : memref<84xi32, #tpu.memory_space<vmem>>) semaphore(%arg15 : memref<!tpu.dma_semaphore, #tpu.memory_space<semaphore_mem>>) {add = true}
      %gt3A_168 = arith.constant 0 : i32
      %gt3A_169 = arith.cmpi sgt, %scan3A_139, %gt3A_168 : i32
      %convert_element_type3A_170 = arith.extui %gt3A_169 : i1 to i32
      %cond3A_171 = arith.constant 0 : i32
      %cond3A_172 = arith.cmpi ne, %convert_element_type3A_170, %cond3A_171 : i32
      scf.if %cond3A_172 {
        %dma_wait3A_241 = arith.constant 0 : i32
        %dma_wait3A_242 = arith.constant 0 : i32
        %dma_wait3A_243 = arith.constant 0 : i32
        %dma_wait3A_244 = tpu.memref_slice %arg6[%dma_wait3A_241, %dma_wait3A_242, %dma_wait3A_243] : memref<3x4x84xi32, #tpu.memory_space<vmem>> -> memref<1x1x84xi32, #tpu.memory_space<vmem>>
        %dma_wait3A_245 = tpu.memref_squeeze %dma_wait3A_244 : memref<1x1x84xi32, #tpu.memory_space<vmem>> -> memref<84xi32, #tpu.memory_space<vmem>>
        %dma_wait3A_246 = arith.constant 0 : i32
        %dma_wait3A_247 = arith.constant 0 : i32
        %dma_wait3A_248 = tpu.memref_slice %arg20[%dma_wait3A_246, %dma_wait3A_247] : memref<10112x128xf32, #tpu.memory_space<vmem_shared>> -> memref<10112x128xf32, #tpu.memory_space<vmem_shared>>
        tpu.wait_indirect_dma semaphore(%arg18 : memref<!tpu.dma_semaphore, #tpu.memory_space<semaphore_mem>>) src(%arg10 : memref<84x128xf32, #tpu.memory_space<vmem>>) dst(%dma_wait3A_248 : memref<10112x128xf32, #tpu.memory_space<vmem_shared>>)
      } else {
      }
      %dma_start3A_173 = arith.constant 3 : i32
      %dma_start3A_174 = arith.constant 0 : i32
      %dma_start3A_175 = tpu.memref_slice %arg5[%rem3A_140, %dma_start3A_173, %dma_start3A_174] : memref<3x4x84xi32, #tpu.memory_space<vmem>> -> memref<1x1x84xi32, #tpu.memory_space<vmem>>
      %dma_start3A_176 = tpu.memref_squeeze %dma_start3A_175 : memref<1x1x84xi32, #tpu.memory_space<vmem>> -> memref<84xi32, #tpu.memory_space<vmem>>
      %dma_start3A_177 = arith.constant 0 : i32
      %dma_start3A_178 = arith.constant 0 : i32
      %dma_start3A_179 = tpu.memref_slice %arg3[%dma_start3A_177, %dma_start3A_178] : memref<10000x128xf32, #tpu.memory_space<hbm>> -> memref<10000x128xf32, #tpu.memory_space<hbm>>
      tpu.enqueue_indirect_dma source(%dma_start3A_179 : memref<10000x128xf32, #tpu.memory_space<hbm>>) target(%arg10 : memref<84x128xf32, #tpu.memory_space<vmem>>) offsets(%dma_start3A_176 : memref<84xi32, #tpu.memory_space<vmem>>) semaphore(%arg14 : memref<!tpu.dma_semaphore, #tpu.memory_space<semaphore_mem>>)
      %dma_wait3A_180 = arith.constant 1 : i32
      %dma_wait3A_181 = arith.constant 0 : i32
      %dma_wait3A_182 = tpu.memref_slice %arg5[%rem3A_140, %dma_wait3A_180, %dma_wait3A_181] : memref<3x4x84xi32, #tpu.memory_space<vmem>> -> memref<1x1x84xi32, #tpu.memory_space<vmem>>
      %dma_wait3A_183 = tpu.memref_squeeze %dma_wait3A_182 : memref<1x1x84xi32, #tpu.memory_space<vmem>> -> memref<84xi32, #tpu.memory_space<vmem>>
      %dma_wait3A_184 = arith.constant 0 : i32
      %dma_wait3A_185 = arith.constant 0 : i32
      %dma_wait3A_186 = tpu.memref_slice %arg3[%dma_wait3A_184, %dma_wait3A_185] : memref<10000x128xf32, #tpu.memory_space<hbm>> -> memref<10000x128xf32, #tpu.memory_space<hbm>>
      tpu.wait_indirect_dma semaphore(%arg12 : memref<!tpu.dma_semaphore, #tpu.memory_space<semaphore_mem>>) src(%dma_wait3A_186 : memref<10000x128xf32, #tpu.memory_space<hbm>>) dst(%arg8 : memref<84x128xf32, #tpu.memory_space<vmem>>)
      %dma_start3A_187 = arith.constant 1 : i32
      %dma_start3A_188 = arith.constant 0 : i32
      %dma_start3A_189 = tpu.memref_slice %arg6[%rem3A_140, %dma_start3A_187, %dma_start3A_188] : memref<3x4x84xi32, #tpu.memory_space<vmem>> -> memref<1x1x84xi32, #tpu.memory_space<vmem>>
      %dma_start3A_190 = tpu.memref_squeeze %dma_start3A_189 : memref<1x1x84xi32, #tpu.memory_space<vmem>> -> memref<84xi32, #tpu.memory_space<vmem>>
      %dma_start3A_191 = arith.constant 0 : i32
      %dma_start3A_192 = arith.constant 0 : i32
      %dma_start3A_193 = tpu.memref_slice %arg20[%dma_start3A_191, %dma_start3A_192] : memref<10112x128xf32, #tpu.memory_space<vmem_shared>> -> memref<10112x128xf32, #tpu.memory_space<vmem_shared>>
      tpu.enqueue_indirect_dma source(%arg8 : memref<84x128xf32, #tpu.memory_space<vmem>>) target(%dma_start3A_193 : memref<10112x128xf32, #tpu.memory_space<vmem_shared>>) offsets(%dma_start3A_190 : memref<84xi32, #tpu.memory_space<vmem>>) semaphore(%arg16 : memref<!tpu.dma_semaphore, #tpu.memory_space<semaphore_mem>>) {add = true}
      %lt3A = arith.constant 29 : i32
      %lt3A_194 = arith.cmpi slt, %scan3A_139, %lt3A : i32
      %convert_element_type3A_195 = arith.extui %lt3A_194 : i1 to i32
      %cond3A_196 = arith.constant 0 : i32
      %cond3A_197 = arith.cmpi ne, %convert_element_type3A_195, %cond3A_196 : i32
      scf.if %cond3A_197 {
        %add3A_241 = arith.constant 1 : i32
        %add3A_242 = arith.addi %scan3A_139, %add3A_241 : i32
        %dma_wait3A_243 = arith.constant 0 : i32
        %dma_wait3A_244 = arith.constant 0 : i32
        %dma_wait3A_245 = arith.constant 0 : i32
        %dma_wait3A_246 = tpu.memref_slice %arg5[%rem3A_144, %dma_wait3A_244, %dma_wait3A_245] : memref<3x4x84xi32, #tpu.memory_space<vmem>> -> memref<1x4x84xi32, #tpu.memory_space<vmem>>
        %dma_wait3A_247 = tpu.memref_squeeze %dma_wait3A_246 : memref<1x4x84xi32, #tpu.memory_space<vmem>> -> memref<4x84xi32, #tpu.memory_space<vmem>>
        %dma_wait3A_248 = arith.constant 0 : i32
        %dma_wait3A_249 = arith.constant 0 : i32
        %dma_wait3A_250 = tpu.memref_slice %arg2[%dma_wait3A_243, %add3A, %add3A_242, %dma_wait3A_248, %dma_wait3A_249] : memref<2x32x30x4x84xi32, #tpu.memory_space<hbm>> -> memref<1x1x1x4x84xi32, #tpu.memory_space<hbm>>
        %dma_wait3A_251 = tpu.memref_squeeze %dma_wait3A_250 : memref<1x1x1x4x84xi32, #tpu.memory_space<hbm>> -> memref<4x84xi32, #tpu.memory_space<hbm>>
        %dma_wait3A_252 = arith.constant 0 : i32
        %dma_wait3A_253 = arith.constant 0 : i32
        %dma_wait3A_254 = tpu.memref_slice %arg5[%rem3A_144, %dma_wait3A_252, %dma_wait3A_253] : memref<3x4x84xi32, #tpu.memory_space<vmem>> -> memref<1x4x84xi32, #tpu.memory_space<vmem>>
        %dma_wait3A_255 = tpu.memref_squeeze %dma_wait3A_254 : memref<1x4x84xi32, #tpu.memory_space<vmem>> -> memref<4x84xi32, #tpu.memory_space<vmem>>
        %dma_wait3A_256 = arith.constant 0 : i32
        %dma_wait3A_257 = arith.constant 0 : i32
        %dma_wait3A_258 = tpu.memref_slice %arg2[%dma_wait3A_243, %add3A, %add3A_242, %dma_wait3A_256, %dma_wait3A_257] : memref<2x32x30x4x84xi32, #tpu.memory_space<hbm>> -> memref<1x1x1x4x84xi32, #tpu.memory_space<hbm>>
        %dma_wait3A_259 = tpu.memref_squeeze %dma_wait3A_258 : memref<1x1x1x4x84xi32, #tpu.memory_space<hbm>> -> memref<4x84xi32, #tpu.memory_space<hbm>>
        tpu.wait_dma2 semaphore(%arg19 : memref<!tpu.dma_semaphore, #tpu.memory_space<semaphore_mem>>) src(%dma_wait3A_259 : memref<4x84xi32, #tpu.memory_space<hbm>>) dst(%dma_wait3A_255 : memref<4x84xi32, #tpu.memory_space<vmem>>)
        %add3A_260 = arith.constant 1 : i32
        %add3A_261 = arith.addi %scan3A_139, %add3A_260 : i32
        %dma_wait3A_262 = arith.constant 1 : i32
        %dma_wait3A_263 = arith.constant 0 : i32
        %dma_wait3A_264 = arith.constant 0 : i32
        %dma_wait3A_265 = tpu.memref_slice %arg6[%rem3A_144, %dma_wait3A_263, %dma_wait3A_264] : memref<3x4x84xi32, #tpu.memory_space<vmem>> -> memref<1x4x84xi32, #tpu.memory_space<vmem>>
        %dma_wait3A_266 = tpu.memref_squeeze %dma_wait3A_265 : memref<1x4x84xi32, #tpu.memory_space<vmem>> -> memref<4x84xi32, #tpu.memory_space<vmem>>
        %dma_wait3A_267 = arith.constant 0 : i32
        %dma_wait3A_268 = arith.constant 0 : i32
        %dma_wait3A_269 = tpu.memref_slice %arg2[%dma_wait3A_262, %add3A, %add3A_261, %dma_wait3A_267, %dma_wait3A_268] : memref<2x32x30x4x84xi32, #tpu.memory_space<hbm>> -> memref<1x1x1x4x84xi32, #tpu.memory_space<hbm>>
        %dma_wait3A_270 = tpu.memref_squeeze %dma_wait3A_269 : memref<1x1x1x4x84xi32, #tpu.memory_space<hbm>> -> memref<4x84xi32, #tpu.memory_space<hbm>>
        %dma_wait3A_271 = arith.constant 0 : i32
        %dma_wait3A_272 = arith.constant 0 : i32
        %dma_wait3A_273 = tpu.memref_slice %arg6[%rem3A_144, %dma_wait3A_271, %dma_wait3A_272] : memref<3x4x84xi32, #tpu.memory_space<vmem>> -> memref<1x4x84xi32, #tpu.memory_space<vmem>>
        %dma_wait3A_274 = tpu.memref_squeeze %dma_wait3A_273 : memref<1x4x84xi32, #tpu.memory_space<vmem>> -> memref<4x84xi32, #tpu.memory_space<vmem>>
        %dma_wait3A_275 = arith.constant 0 : i32
        %dma_wait3A_276 = arith.constant 0 : i32
        %dma_wait3A_277 = tpu.memref_slice %arg2[%dma_wait3A_262, %add3A, %add3A_261, %dma_wait3A_275, %dma_wait3A_276] : memref<2x32x30x4x84xi32, #tpu.memory_space<hbm>> -> memref<1x1x1x4x84xi32, #tpu.memory_space<hbm>>
        %dma_wait3A_278 = tpu.memref_squeeze %dma_wait3A_277 : memref<1x1x1x4x84xi32, #tpu.memory_space<hbm>> -> memref<4x84xi32, #tpu.memory_space<hbm>>
        tpu.wait_dma2 semaphore(%arg19 : memref<!tpu.dma_semaphore, #tpu.memory_space<semaphore_mem>>) src(%dma_wait3A_278 : memref<4x84xi32, #tpu.memory_space<hbm>>) dst(%dma_wait3A_274 : memref<4x84xi32, #tpu.memory_space<vmem>>)
      } else {
      }
      %lt3A_198 = arith.constant 28 : i32
      %lt3A_199 = arith.cmpi slt, %scan3A_139, %lt3A_198 : i32
      %convert_element_type3A_200 = arith.extui %lt3A_199 : i1 to i32
      %cond3A_201 = arith.constant 0 : i32
      %cond3A_202 = arith.cmpi ne, %convert_element_type3A_200, %cond3A_201 : i32
      scf.if %cond3A_202 {
        %add3A_241 = arith.constant 2 : i32
        %add3A_242 = arith.addi %scan3A_139, %add3A_241 : i32
        %add3A_243 = arith.constant 2 : i32
        %add3A_244 = arith.addi %scan3A_139, %add3A_243 : i32
        %rem3A_245 = arith.constant 3 : i32
        %rem3A_246 = arith.remsi %add3A_244, %rem3A_245 : i32
        %dma_start3A_247 = arith.constant 0 : i32
        %dma_start3A_248 = arith.constant 0 : i32
        %dma_start3A_249 = arith.constant 0 : i32
        %dma_start3A_250 = tpu.memref_slice %arg5[%rem3A_246, %dma_start3A_248, %dma_start3A_249] : memref<3x4x84xi32, #tpu.memory_space<vmem>> -> memref<1x4x84xi32, #tpu.memory_space<vmem>>
        %dma_start3A_251 = tpu.memref_squeeze %dma_start3A_250 : memref<1x4x84xi32, #tpu.memory_space<vmem>> -> memref<4x84xi32, #tpu.memory_space<vmem>>
        %dma_start3A_252 = arith.constant 0 : i32
        %dma_start3A_253 = arith.constant 0 : i32
        %dma_start3A_254 = tpu.memref_slice %arg2[%dma_start3A_247, %add3A, %add3A_242, %dma_start3A_252, %dma_start3A_253] : memref<2x32x30x4x84xi32, #tpu.memory_space<hbm>> -> memref<1x1x1x4x84xi32, #tpu.memory_space<hbm>>
        %dma_start3A_255 = tpu.memref_squeeze %dma_start3A_254 : memref<1x1x1x4x84xi32, #tpu.memory_space<hbm>> -> memref<4x84xi32, #tpu.memory_space<hbm>>
        %dma_start3A_256 = arith.constant 0 : i32
        %dma_start3A_257 = arith.constant 0 : i32
        %dma_start3A_258 = tpu.memref_slice %arg5[%rem3A_246, %dma_start3A_256, %dma_start3A_257] : memref<3x4x84xi32, #tpu.memory_space<vmem>> -> memref<1x4x84xi32, #tpu.memory_space<vmem>>
        %dma_start3A_259 = tpu.memref_squeeze %dma_start3A_258 : memref<1x4x84xi32, #tpu.memory_space<vmem>> -> memref<4x84xi32, #tpu.memory_space<vmem>>
        %dma_start3A_260 = arith.constant 0 : i32
        %dma_start3A_261 = arith.constant 0 : i32
        %dma_start3A_262 = tpu.memref_slice %arg2[%dma_start3A_247, %add3A, %add3A_242, %dma_start3A_260, %dma_start3A_261] : memref<2x32x30x4x84xi32, #tpu.memory_space<hbm>> -> memref<1x1x1x4x84xi32, #tpu.memory_space<hbm>>
        %dma_start3A_263 = tpu.memref_squeeze %dma_start3A_262 : memref<1x1x1x4x84xi32, #tpu.memory_space<hbm>> -> memref<4x84xi32, #tpu.memory_space<hbm>>
        tpu.enqueue_dma source(%dma_start3A_263 : memref<4x84xi32, #tpu.memory_space<hbm>>) target(%dma_start3A_259 : memref<4x84xi32, #tpu.memory_space<vmem>>) target_semaphore(%arg19 : memref<!tpu.dma_semaphore, #tpu.memory_space<semaphore_mem>>)
        %add3A_264 = arith.constant 2 : i32
        %add3A_265 = arith.addi %scan3A_139, %add3A_264 : i32
        %add3A_266 = arith.constant 2 : i32
        %add3A_267 = arith.addi %scan3A_139, %add3A_266 : i32
        %rem3A_268 = arith.constant 3 : i32
        %rem3A_269 = arith.remsi %add3A_267, %rem3A_268 : i32
        %dma_start3A_270 = arith.constant 1 : i32
        %dma_start3A_271 = arith.constant 0 : i32
        %dma_start3A_272 = arith.constant 0 : i32
        %dma_start3A_273 = tpu.memref_slice %arg6[%rem3A_269, %dma_start3A_271, %dma_start3A_272] : memref<3x4x84xi32, #tpu.memory_space<vmem>> -> memref<1x4x84xi32, #tpu.memory_space<vmem>>
        %dma_start3A_274 = tpu.memref_squeeze %dma_start3A_273 : memref<1x4x84xi32, #tpu.memory_space<vmem>> -> memref<4x84xi32, #tpu.memory_space<vmem>>
        %dma_start3A_275 = arith.constant 0 : i32
        %dma_start3A_276 = arith.constant 0 : i32
        %dma_start3A_277 = tpu.memref_slice %arg2[%dma_start3A_270, %add3A, %add3A_265, %dma_start3A_275, %dma_start3A_276] : memref<2x32x30x4x84xi32, #tpu.memory_space<hbm>> -> memref<1x1x1x4x84xi32, #tpu.memory_space<hbm>>
        %dma_start3A_278 = tpu.memref_squeeze %dma_start3A_277 : memref<1x1x1x4x84xi32, #tpu.memory_space<hbm>> -> memref<4x84xi32, #tpu.memory_space<hbm>>
        %dma_start3A_279 = arith.constant 0 : i32
        %dma_start3A_280 = arith.constant 0 : i32
        %dma_start3A_281 = tpu.memref_slice %arg6[%rem3A_269, %dma_start3A_279, %dma_start3A_280] : memref<3x4x84xi32, #tpu.memory_space<vmem>> -> memref<1x4x84xi32, #tpu.memory_space<vmem>>
        %dma_start3A_282 = tpu.memref_squeeze %dma_start3A_281 : memref<1x4x84xi32, #tpu.memory_space<vmem>> -> memref<4x84xi32, #tpu.memory_space<vmem>>
        %dma_start3A_283 = arith.constant 0 : i32
        %dma_start3A_284 = arith.constant 0 : i32
        %dma_start3A_285 = tpu.memref_slice %arg2[%dma_start3A_270, %add3A, %add3A_265, %dma_start3A_283, %dma_start3A_284] : memref<2x32x30x4x84xi32, #tpu.memory_space<hbm>> -> memref<1x1x1x4x84xi32, #tpu.memory_space<hbm>>
        %dma_start3A_286 = tpu.memref_squeeze %dma_start3A_285 : memref<1x1x1x4x84xi32, #tpu.memory_space<hbm>> -> memref<4x84xi32, #tpu.memory_space<hbm>>
        tpu.enqueue_dma source(%dma_start3A_286 : memref<4x84xi32, #tpu.memory_space<hbm>>) target(%dma_start3A_282 : memref<4x84xi32, #tpu.memory_space<vmem>>) target_semaphore(%arg19 : memref<!tpu.dma_semaphore, #tpu.memory_space<semaphore_mem>>)
      } else {
      }
      %lt3A_203 = arith.constant 29 : i32
      %lt3A_204 = arith.cmpi slt, %scan3A_139, %lt3A_203 : i32
      %convert_element_type3A_205 = arith.extui %lt3A_204 : i1 to i32
      %cond3A_206 = arith.constant 0 : i32
      %cond3A_207 = arith.cmpi ne, %convert_element_type3A_205, %cond3A_206 : i32
      scf.if %cond3A_207 {
        %dma_wait3A_241 = arith.constant 0 : i32
        %dma_wait3A_242 = arith.constant 0 : i32
        %dma_wait3A_243 = arith.constant 0 : i32
        %dma_wait3A_244 = tpu.memref_slice %arg6[%dma_wait3A_241, %dma_wait3A_242, %dma_wait3A_243] : memref<3x4x84xi32, #tpu.memory_space<vmem>> -> memref<1x1x84xi32, #tpu.memory_space<vmem>>
        %dma_wait3A_245 = tpu.memref_squeeze %dma_wait3A_244 : memref<1x1x84xi32, #tpu.memory_space<vmem>> -> memref<84xi32, #tpu.memory_space<vmem>>
        %dma_wait3A_246 = arith.constant 0 : i32
        %dma_wait3A_247 = arith.constant 0 : i32
        %dma_wait3A_248 = tpu.memref_slice %arg20[%dma_wait3A_246, %dma_wait3A_247] : memref<10112x128xf32, #tpu.memory_space<vmem_shared>> -> memref<10112x128xf32, #tpu.memory_space<vmem_shared>>
        tpu.wait_indirect_dma semaphore(%arg15 : memref<!tpu.dma_semaphore, #tpu.memory_space<semaphore_mem>>) src(%arg7 : memref<84x128xf32, #tpu.memory_space<vmem>>) dst(%dma_wait3A_248 : memref<10112x128xf32, #tpu.memory_space<vmem_shared>>)
        %dma_start3A_249 = arith.constant 0 : i32
        %dma_start3A_250 = arith.constant 0 : i32
        %dma_start3A_251 = tpu.memref_slice %arg5[%rem3A_144, %dma_start3A_249, %dma_start3A_250] : memref<3x4x84xi32, #tpu.memory_space<vmem>> -> memref<1x1x84xi32, #tpu.memory_space<vmem>>
        %dma_start3A_252 = tpu.memref_squeeze %dma_start3A_251 : memref<1x1x84xi32, #tpu.memory_space<vmem>> -> memref<84xi32, #tpu.memory_space<vmem>>
        %dma_start3A_253 = arith.constant 0 : i32
        %dma_start3A_254 = arith.constant 0 : i32
        %dma_start3A_255 = tpu.memref_slice %arg3[%dma_start3A_253, %dma_start3A_254] : memref<10000x128xf32, #tpu.memory_space<hbm>> -> memref<10000x128xf32, #tpu.memory_space<hbm>>
        tpu.enqueue_indirect_dma source(%dma_start3A_255 : memref<10000x128xf32, #tpu.memory_space<hbm>>) target(%arg7 : memref<84x128xf32, #tpu.memory_space<vmem>>) offsets(%dma_start3A_252 : memref<84xi32, #tpu.memory_space<vmem>>) semaphore(%arg11 : memref<!tpu.dma_semaphore, #tpu.memory_space<semaphore_mem>>)
      } else {
      }
      %dma_wait3A_208 = arith.constant 2 : i32
      %dma_wait3A_209 = arith.constant 0 : i32
      %dma_wait3A_210 = tpu.memref_slice %arg5[%rem3A_140, %dma_wait3A_208, %dma_wait3A_209] : memref<3x4x84xi32, #tpu.memory_space<vmem>> -> memref<1x1x84xi32, #tpu.memory_space<vmem>>
      %dma_wait3A_211 = tpu.memref_squeeze %dma_wait3A_210 : memref<1x1x84xi32, #tpu.memory_space<vmem>> -> memref<84xi32, #tpu.memory_space<vmem>>
      %dma_wait3A_212 = arith.constant 0 : i32
      %dma_wait3A_213 = arith.constant 0 : i32
      %dma_wait3A_214 = tpu.memref_slice %arg3[%dma_wait3A_212, %dma_wait3A_213] : memref<10000x128xf32, #tpu.memory_space<hbm>> -> memref<10000x128xf32, #tpu.memory_space<hbm>>
      tpu.wait_indirect_dma semaphore(%arg13 : memref<!tpu.dma_semaphore, #tpu.memory_space<semaphore_mem>>) src(%dma_wait3A_214 : memref<10000x128xf32, #tpu.memory_space<hbm>>) dst(%arg9 : memref<84x128xf32, #tpu.memory_space<vmem>>)
      %dma_start3A_215 = arith.constant 2 : i32
      %dma_start3A_216 = arith.constant 0 : i32
      %dma_start3A_217 = tpu.memref_slice %arg6[%rem3A_140, %dma_start3A_215, %dma_start3A_216] : memref<3x4x84xi32, #tpu.memory_space<vmem>> -> memref<1x1x84xi32, #tpu.memory_space<vmem>>
      %dma_start3A_218 = tpu.memref_squeeze %dma_start3A_217 : memref<1x1x84xi32, #tpu.memory_space<vmem>> -> memref<84xi32, #tpu.memory_space<vmem>>
      %dma_start3A_219 = arith.constant 0 : i32
      %dma_start3A_220 = arith.constant 0 : i32
      %dma_start3A_221 = tpu.memref_slice %arg20[%dma_start3A_219, %dma_start3A_220] : memref<10112x128xf32, #tpu.memory_space<vmem_shared>> -> memref<10112x128xf32, #tpu.memory_space<vmem_shared>>
      tpu.enqueue_indirect_dma source(%arg9 : memref<84x128xf32, #tpu.memory_space<vmem>>) target(%dma_start3A_221 : memref<10112x128xf32, #tpu.memory_space<vmem_shared>>) offsets(%dma_start3A_218 : memref<84xi32, #tpu.memory_space<vmem>>) semaphore(%arg17 : memref<!tpu.dma_semaphore, #tpu.memory_space<semaphore_mem>>) {add = true}
      %lt3A_222 = arith.constant 29 : i32
      %lt3A_223 = arith.cmpi slt, %scan3A_139, %lt3A_222 : i32
      %convert_element_type3A_224 = arith.extui %lt3A_223 : i1 to i32
      %cond3A_225 = arith.constant 0 : i32
      %cond3A_226 = arith.cmpi ne, %convert_element_type3A_224, %cond3A_225 : i32
      scf.if %cond3A_226 {
        %dma_wait3A_241 = arith.constant 0 : i32
        %dma_wait3A_242 = arith.constant 0 : i32
        %dma_wait3A_243 = arith.constant 0 : i32
        %dma_wait3A_244 = tpu.memref_slice %arg6[%dma_wait3A_241, %dma_wait3A_242, %dma_wait3A_243] : memref<3x4x84xi32, #tpu.memory_space<vmem>> -> memref<1x1x84xi32, #tpu.memory_space<vmem>>
        %dma_wait3A_245 = tpu.memref_squeeze %dma_wait3A_244 : memref<1x1x84xi32, #tpu.memory_space<vmem>> -> memref<84xi32, #tpu.memory_space<vmem>>
        %dma_wait3A_246 = arith.constant 0 : i32
        %dma_wait3A_247 = arith.constant 0 : i32
        %dma_wait3A_248 = tpu.memref_slice %arg20[%dma_wait3A_246, %dma_wait3A_247] : memref<10112x128xf32, #tpu.memory_space<vmem_shared>> -> memref<10112x128xf32, #tpu.memory_space<vmem_shared>>
        tpu.wait_indirect_dma semaphore(%arg16 : memref<!tpu.dma_semaphore, #tpu.memory_space<semaphore_mem>>) src(%arg8 : memref<84x128xf32, #tpu.memory_space<vmem>>) dst(%dma_wait3A_248 : memref<10112x128xf32, #tpu.memory_space<vmem_shared>>)
        %dma_start3A_249 = arith.constant 1 : i32
        %dma_start3A_250 = arith.constant 0 : i32
        %dma_start3A_251 = tpu.memref_slice %arg5[%rem3A_144, %dma_start3A_249, %dma_start3A_250] : memref<3x4x84xi32, #tpu.memory_space<vmem>> -> memref<1x1x84xi32, #tpu.memory_space<vmem>>
        %dma_start3A_252 = tpu.memref_squeeze %dma_start3A_251 : memref<1x1x84xi32, #tpu.memory_space<vmem>> -> memref<84xi32, #tpu.memory_space<vmem>>
        %dma_start3A_253 = arith.constant 0 : i32
        %dma_start3A_254 = arith.constant 0 : i32
        %dma_start3A_255 = tpu.memref_slice %arg3[%dma_start3A_253, %dma_start3A_254] : memref<10000x128xf32, #tpu.memory_space<hbm>> -> memref<10000x128xf32, #tpu.memory_space<hbm>>
        tpu.enqueue_indirect_dma source(%dma_start3A_255 : memref<10000x128xf32, #tpu.memory_space<hbm>>) target(%arg8 : memref<84x128xf32, #tpu.memory_space<vmem>>) offsets(%dma_start3A_252 : memref<84xi32, #tpu.memory_space<vmem>>) semaphore(%arg12 : memref<!tpu.dma_semaphore, #tpu.memory_space<semaphore_mem>>)
      } else {
      }
      %dma_wait3A_227 = arith.constant 3 : i32
      %dma_wait3A_228 = arith.constant 0 : i32
      %dma_wait3A_229 = tpu.memref_slice %arg5[%rem3A_140, %dma_wait3A_227, %dma_wait3A_228] : memref<3x4x84xi32, #tpu.memory_space<vmem>> -> memref<1x1x84xi32, #tpu.memory_space<vmem>>
      %dma_wait3A_230 = tpu.memref_squeeze %dma_wait3A_229 : memref<1x1x84xi32, #tpu.memory_space<vmem>> -> memref<84xi32, #tpu.memory_space<vmem>>
      %dma_wait3A_231 = arith.constant 0 : i32
      %dma_wait3A_232 = arith.constant 0 : i32
      %dma_wait3A_233 = tpu.memref_slice %arg3[%dma_wait3A_231, %dma_wait3A_232] : memref<10000x128xf32, #tpu.memory_space<hbm>> -> memref<10000x128xf32, #tpu.memory_space<hbm>>
      tpu.wait_indirect_dma semaphore(%arg14 : memref<!tpu.dma_semaphore, #tpu.memory_space<semaphore_mem>>) src(%dma_wait3A_233 : memref<10000x128xf32, #tpu.memory_space<hbm>>) dst(%arg10 : memref<84x128xf32, #tpu.memory_space<vmem>>)
      %dma_start3A_234 = arith.constant 3 : i32
      %dma_start3A_235 = arith.constant 0 : i32
      %dma_start3A_236 = tpu.memref_slice %arg6[%rem3A_140, %dma_start3A_234, %dma_start3A_235] : memref<3x4x84xi32, #tpu.memory_space<vmem>> -> memref<1x1x84xi32, #tpu.memory_space<vmem>>
      %dma_start3A_237 = tpu.memref_squeeze %dma_start3A_236 : memref<1x1x84xi32, #tpu.memory_space<vmem>> -> memref<84xi32, #tpu.memory_space<vmem>>
      %dma_start3A_238 = arith.constant 0 : i32
      %dma_start3A_239 = arith.constant 0 : i32
      %dma_start3A_240 = tpu.memref_slice %arg20[%dma_start3A_238, %dma_start3A_239] : memref<10112x128xf32, #tpu.memory_space<vmem_shared>> -> memref<10112x128xf32, #tpu.memory_space<vmem_shared>>
      tpu.enqueue_indirect_dma source(%arg10 : memref<84x128xf32, #tpu.memory_space<vmem>>) target(%dma_start3A_240 : memref<10112x128xf32, #tpu.memory_space<vmem_shared>>) offsets(%dma_start3A_237 : memref<84xi32, #tpu.memory_space<vmem>>) semaphore(%arg18 : memref<!tpu.dma_semaphore, #tpu.memory_space<semaphore_mem>>) {add = true}
    }
    %scan3A_102 = arith.constant 30 : i32
    %dma_wait3A = arith.constant 0 : i32
    %dma_wait3A_103 = arith.constant 0 : i32
    %dma_wait3A_104 = arith.constant 0 : i32
    %dma_wait3A_105 = tpu.memref_slice %arg6[%dma_wait3A, %dma_wait3A_103, %dma_wait3A_104] : memref<3x4x84xi32, #tpu.memory_space<vmem>> -> memref<1x1x84xi32, #tpu.memory_space<vmem>>
    %dma_wait3A_106 = tpu.memref_squeeze %dma_wait3A_105 : memref<1x1x84xi32, #tpu.memory_space<vmem>> -> memref<84xi32, #tpu.memory_space<vmem>>
    %dma_wait3A_107 = arith.constant 0 : i32
    %dma_wait3A_108 = arith.constant 0 : i32
    %dma_wait3A_109 = tpu.memref_slice %arg20[%dma_wait3A_107, %dma_wait3A_108] : memref<10112x128xf32, #tpu.memory_space<vmem_shared>> -> memref<10112x128xf32, #tpu.memory_space<vmem_shared>>
    tpu.wait_indirect_dma semaphore(%arg15 : memref<!tpu.dma_semaphore, #tpu.memory_space<semaphore_mem>>) src(%arg7 : memref<84x128xf32, #tpu.memory_space<vmem>>) dst(%dma_wait3A_109 : memref<10112x128xf32, #tpu.memory_space<vmem_shared>>)
    %dma_wait3A_110 = arith.constant 0 : i32
    %dma_wait3A_111 = arith.constant 0 : i32
    %dma_wait3A_112 = arith.constant 0 : i32
    %dma_wait3A_113 = tpu.memref_slice %arg6[%dma_wait3A_110, %dma_wait3A_111, %dma_wait3A_112] : memref<3x4x84xi32, #tpu.memory_space<vmem>> -> memref<1x1x84xi32, #tpu.memory_space<vmem>>
    %dma_wait3A_114 = tpu.memref_squeeze %dma_wait3A_113 : memref<1x1x84xi32, #tpu.memory_space<vmem>> -> memref<84xi32, #tpu.memory_space<vmem>>
    %dma_wait3A_115 = arith.constant 0 : i32
    %dma_wait3A_116 = arith.constant 0 : i32
    %dma_wait3A_117 = tpu.memref_slice %arg20[%dma_wait3A_115, %dma_wait3A_116] : memref<10112x128xf32, #tpu.memory_space<vmem_shared>> -> memref<10112x128xf32, #tpu.memory_space<vmem_shared>>
    tpu.wait_indirect_dma semaphore(%arg16 : memref<!tpu.dma_semaphore, #tpu.memory_space<semaphore_mem>>) src(%arg8 : memref<84x128xf32, #tpu.memory_space<vmem>>) dst(%dma_wait3A_117 : memref<10112x128xf32, #tpu.memory_space<vmem_shared>>)
    %dma_wait3A_118 = arith.constant 0 : i32
    %dma_wait3A_119 = arith.constant 0 : i32
    %dma_wait3A_120 = arith.constant 0 : i32
    %dma_wait3A_121 = tpu.memref_slice %arg6[%dma_wait3A_118, %dma_wait3A_119, %dma_wait3A_120] : memref<3x4x84xi32, #tpu.memory_space<vmem>> -> memref<1x1x84xi32, #tpu.memory_space<vmem>>
    %dma_wait3A_122 = tpu.memref_squeeze %dma_wait3A_121 : memref<1x1x84xi32, #tpu.memory_space<vmem>> -> memref<84xi32, #tpu.memory_space<vmem>>
    %dma_wait3A_123 = arith.constant 0 : i32
    %dma_wait3A_124 = arith.constant 0 : i32
    %dma_wait3A_125 = tpu.memref_slice %arg20[%dma_wait3A_123, %dma_wait3A_124] : memref<10112x128xf32, #tpu.memory_space<vmem_shared>> -> memref<10112x128xf32, #tpu.memory_space<vmem_shared>>
    tpu.wait_indirect_dma semaphore(%arg17 : memref<!tpu.dma_semaphore, #tpu.memory_space<semaphore_mem>>) src(%arg9 : memref<84x128xf32, #tpu.memory_space<vmem>>) dst(%dma_wait3A_125 : memref<10112x128xf32, #tpu.memory_space<vmem_shared>>)
    %dma_wait3A_126 = arith.constant 0 : i32
    %dma_wait3A_127 = arith.constant 0 : i32
    %dma_wait3A_128 = arith.constant 0 : i32
    %dma_wait3A_129 = tpu.memref_slice %arg6[%dma_wait3A_126, %dma_wait3A_127, %dma_wait3A_128] : memref<3x4x84xi32, #tpu.memory_space<vmem>> -> memref<1x1x84xi32, #tpu.memory_space<vmem>>
    %dma_wait3A_130 = tpu.memref_squeeze %dma_wait3A_129 : memref<1x1x84xi32, #tpu.memory_space<vmem>> -> memref<84xi32, #tpu.memory_space<vmem>>
    %dma_wait3A_131 = arith.constant 0 : i32
    %dma_wait3A_132 = arith.constant 0 : i32
    %dma_wait3A_133 = tpu.memref_slice %arg20[%dma_wait3A_131, %dma_wait3A_132] : memref<10112x128xf32, #tpu.memory_space<vmem_shared>> -> memref<10112x128xf32, #tpu.memory_space<vmem_shared>>
    tpu.wait_indirect_dma semaphore(%arg18 : memref<!tpu.dma_semaphore, #tpu.memory_space<semaphore_mem>>) src(%arg10 : memref<84x128xf32, #tpu.memory_space<vmem>>) dst(%dma_wait3A_133 : memref<10112x128xf32, #tpu.memory_space<vmem_shared>>)
    %barrier3A_134 = arith.constant 0 : index
    tpu.barrier barrier_id(%barrier3A_134)
    %mul3A_135 = arith.constant 632 : i32
    %mul3A_136 = arith.muli %arg1, %mul3A_135 : i32
    %mul3A_137 = arith.constant 632 : i32
    %mul3A_138 = arith.muli %arg1, %mul3A_137 : i32
    "tpu.region"() ({
      %run_scoped3A_139 = tpu.sem_alloc : memref<!tpu.dma_semaphore, #tpu.memory_space<semaphore_mem>>
      %dma_start3A_140 = arith.constant 0 : i32
      %dma_start3A_141 = tpu.memref_slice %arg4[%arg0, %mul3A_138, %dma_start3A_140] : memref<2x10112x128xf32, #tpu.memory_space<hbm>> -> memref<1x632x128xf32, #tpu.memory_space<hbm>>
      %dma_start3A_142 = tpu.memref_squeeze %dma_start3A_141 : memref<1x632x128xf32, #tpu.memory_space<hbm>> -> memref<632x128xf32, #tpu.memory_space<hbm>>
      %dma_start3A_143 = arith.constant 0 : i32
      %dma_start3A_144 = tpu.memref_slice %arg20[%mul3A_136, %dma_start3A_143] : memref<10112x128xf32, #tpu.memory_space<vmem_shared>> -> memref<632x128xf32, #tpu.memory_space<vmem_shared>>
      tpu.enqueue_dma source(%dma_start3A_144 : memref<632x128xf32, #tpu.memory_space<vmem_shared>>) target(%dma_start3A_142 : memref<632x128xf32, #tpu.memory_space<hbm>>) target_semaphore(%run_scoped3A_139 : memref<!tpu.dma_semaphore, #tpu.memory_space<semaphore_mem>>)
      %dma_wait3A_145 = arith.constant 0 : i32
      %dma_wait3A_146 = tpu.memref_slice %arg4[%arg0, %mul3A_138, %dma_wait3A_145] : memref<2x10112x128xf32, #tpu.memory_space<hbm>> -> memref<1x632x128xf32, #tpu.memory_space<hbm>>
      %dma_wait3A_147 = tpu.memref_squeeze %dma_wait3A_146 : memref<1x632x128xf32, #tpu.memory_space<hbm>> -> memref<632x128xf32, #tpu.memory_space<hbm>>
      %dma_wait3A_148 = arith.constant 0 : i32
      %dma_wait3A_149 = tpu.memref_slice %arg20[%mul3A_136, %dma_wait3A_148] : memref<10112x128xf32, #tpu.memory_space<vmem_shared>> -> memref<632x128xf32, #tpu.memory_space<vmem_shared>>
      tpu.wait_dma2 semaphore(%run_scoped3A_139 : memref<!tpu.dma_semaphore, #tpu.memory_space<semaphore_mem>>) src(%dma_wait3A_149 : memref<632x128xf32, #tpu.memory_space<vmem_shared>>) dst(%dma_wait3A_147 : memref<632x128xf32, #tpu.memory_space<hbm>>)
      tpu.yield
    }) : () -> ()
    return
  }
}

</mosaic_0001>

<sc_bundles>
// kernel: _sc_aggregate.3.cloned.1.call-start
scs
__scs_entry_jumppad:
0x0: {  	(pc) =	sbr.rel $0x88, $3  }
0x1: {  	(tag) =	ssettag $0x0;
	lr =	simm.s32 $0x1  }
0x2: {  	[smem:$0x3F9F] =	sst lr;
	_ =	strace $0xD0000000  }
0x3: {  	_ = 	snop  }
0x4: {  	_ = 	snop  }
0x5: {  	_ = 	snop  }
0x6: {  	_ = 	snop  }
0x7: {  	_ = 	snop  }
__scs_overlays_trampoline_lowered:
0x8: {  	[smem:$0x3FAE] =	sst s0  }
0x9: {  	[smem:$0x3FAF] =	sst s1  }
0xa: {  	[smem:$0x3FB0] =	sst s2  }
0xb: {  	[smem:$0x3FB1] =	sst s3  }
0xc: {  	[smem:$0x3FB2] =	sst s4  }
0xd: {  	[smem:$0x3FB3] =	sst s5  }
0xe: {  	[smem:$0x3FB4] =	sst s6  }
0xf: {  	[smem:$0x3FB5] =	sst s7  }
0x10: {  	[smem:$0x3FB6] =	sst s8  }
0x11: {  	[smem:$0x3FB7] =	sst s9;
	s0 =	simm.s32 @!p0 $0x0  }
0x12: {  	s1 =	sld [smem:$0x3F9D];
	s0 =	simm.s32 @p0 $0x1  }
0x13: {  	[smem:$0x3FB8] =	sst s0;
	s0 =	simm.s32 @!p1 $0x0  }
0x14: {  	s2 =	sld [smem:$0x3F9C];
	s0 =	simm.s32 @p1 $0x1  }
0x15: {  	[smem:$0x3FB9] =	sst s0;
	s0 =	simm.s32 @!p2 $0x0  }
0x16: {  	s3 =	sld [smem:$0x3FDB];
	s0 =	simm.s32 @p2 $0x1  }
0x17: {  	s4 =	simm.s32 $0x1BF5;
	[smem:$0x3FBB] =	sst s0  }
0x18: {  	s0 =	sld [smem:$0x3F9E];
	_ =	swait.ge [sflag:s4], $0x0  }
0x19: {  	s7 =	sld [smem:$0x3F9F]  }
0x1a: {  	s8 =	sadd.s32 $0xFFFFE003, lr  }
0x1b: {  	s9 =	sadd.s32 $0xFFFFFEF7, lr;
	s5 =	simm.s32 $0xFFFFFFFF;
	p2 =	slt.u32 s8, $0xFFFFF086  }
0x1c: {  	p1 =	slt.u32 s9, $0xF7A;
	s5 =	simm.s32 @!p2 $0x0  }
0x1d: {  	s5 =	simm.s32 @p1 $0x1;
	p0 =	seq.s32 s7, s2  }
0x1e: {  	s7 =	smul.u32 @!p0 $0xF7A, s2;
	p2 =	seq.s32 @!p0 s5, $0x0  }
0x1f: {  	s9 =	smul.u32 $0xF7A, s1;
	s8 =	simm.s32 @!p0 $0x1BF5;
	p2 =	por !p2, p0  }
0x20: {  	[sflag:s8] =	ssyncset.s32 @!p0 $0xFFFFF086;
	s6 =	sadd.s32 @!p0 s3, s7;
	s7 =	simm.s32 @!p0 $0x108  }
0x21: {  	s3 =	sadd.s32 s3, s9;
	s6 =	sadd.s32 @!p0 $0x88, s6;
	s7 =	simm.s32 @p2 $0x1082  }
0x22: {  	[simem:s7], [sflag:s8] =	dma.local @!p0 [hbm:s6], $0xF7A  }
0x23: {  	s9 =	sor.u32 $0xD0000000, s2;
	s6 =	simm.s32 $0x108;
	_ =	swait.ge @!p0 [sflag:s8], $0x0  }
0x24: {  	s3 =	sadd.s32 $0x88, s3;
	s6 =	simm.s32 @!p1 $0x1082;
	[sflag:s4] =	ssyncset.s32 $0xFFFFF086  }
0x25: {  	[simem:s6], [sflag:s4] =	dma.local [hbm:s3], $0xF7A  }
0x26: {  	[smem:$0x3F9F] =	sst s1;
	(tag) =	ssettag s2;
	_ =	strace s9  }
0x27: {  	s1 =	sld [smem:$0x3FAF]  }
0x28: {  	s2 =	sld [smem:$0x3FB0]  }
0x29: {  	s4 =	sld [smem:$0x3FB2]  }
0x2a: {  	p0 =	seq.s32 s5, $0x0;
	s5 =	sld [smem:$0x3FB3]  }
0x2b: {  	s6 =	sld [smem:$0x3FB4]  }
0x2c: {  	s7 =	sld [smem:$0x3FB5]  }
0x2d: {  	s3 =	simm.s32 $0x108;
	s8 =	sld [smem:$0x3FB6]  }
0x2e: {  	s3 =	simm.s32 @!p0 $0x1082;
	s9 =	sld [smem:$0x3FB7]  }
0x2f: {  	lr =	sadd.s32 s0, s3;
	s0 =	sld [smem:$0x3FAE]  }
0x30: {  	s3 =	sld [smem:$0x3FB1]  }
0x31: {  	[smem:$0x3FBA] =	sst s10  }
0x32: {  	s10 =	sld [smem:$0x3FB8];
	_ =	sdelay $0x3  }
0x33: {  	p0 =	seq.s32 s10, $0x1;
	s10 =	sld [smem:$0x3FBA];
	_ =	sdelay $0x3  }
0x34: {  	[smem:$0x3FBA] =	sst s10  }
0x35: {  	s10 =	sld [smem:$0x3FB9];
	_ =	sdelay $0x3  }
0x36: {  	p1 =	seq.s32 s10, $0x1;
	s10 =	sld [smem:$0x3FBA];
	_ =	sdelay $0x3  }
0x37: {  	[smem:$0x3FBA] =	sst s10  }
0x38: {  	s10 =	sld [smem:$0x3FBB]  }
0x39: {  	_ = 	snop;
	(pc) =	sbr.ind lr, $3  }
0x3a: {  	_ = 	snop  }
0x3b: {  	_ = 	snop  }
0x3c: {  	p2 =	seq.s32 s10, $0x1;
	s10 =	sld [smem:$0x3FBA]  }
0x3d: {  	_ =	shalt  }
0x3e: {  	_ =	shalt  }
0x3f: {  	_ =	shalt  }
0x40: {  	_ =	shalt  }
0x41: {  	_ =	shalt  }
0x42: {  	_ =	shalt  }
0x43: {  	_ =	shalt  }
0x44: {  	_ =	shalt  }
0x45: {  	_ =	shalt  }
0x46: {  	_ =	shalt  }
0x47: {  	_ =	shalt  }
0x48: {  	_ =	shalt  }
0x49: {  	_ =	shalt  }
0x4a: {  	_ =	shalt  }
0x4b: {  	_ =	shalt  }
0x4c: {  	_ =	shalt  }
0x4d: {  	_ =	shalt  }
0x4e: {  	_ =	shalt  }
0x4f: {  	_ =	shalt  }
0x50: {  	_ =	shalt  }
0x51: {  	_ =	shalt  }
0x52: {  	_ =	shalt  }
0x53: {  	_ =	shalt  }
0x54: {  	_ =	shalt  }
0x55: {  	_ =	shalt  }
0x56: {  	_ =	shalt  }
0x57: {  	_ =	shalt  }
0x58: {  	_ =	shalt  }
0x59: {  	_ =	shalt  }
0x5a: {  	_ =	shalt  }
0x5b: {  	_ =	shalt  }
0x5c: {  	_ =	shalt  }
0x5d: {  	_ =	shalt  }
0x5e: {  	_ =	shalt  }
0x5f: {  	_ =	shalt  }
0x60: {  	_ =	shalt  }
0x61: {  	_ =	shalt  }
0x62: {  	_ =	shalt  }
0x63: {  	_ =	shalt  }
0x64: {  	_ =	shalt  }
0x65: {  	_ =	shalt  }
0x66: {  	_ =	shalt  }
0x67: {  	_ =	shalt  }
0x68: {  	_ =	shalt  }
0x69: {  	_ =	shalt  }
0x6a: {  	_ =	shalt  }
0x6b: {  	_ =	shalt  }
0x6c: {  	_ =	shalt  }
0x6d: {  	_ =	shalt  }
0x6e: {  	_ =	shalt  }
0x6f: {  	_ =	shalt  }
0x70: {  	_ =	shalt  }
0x71: {  	_ =	shalt  }
0x72: {  	_ =	shalt  }
0x73: {  	_ =	shalt  }
0x74: {  	_ =	shalt  }
0x75: {  	_ =	shalt  }
0x76: {  	_ =	shalt  }
0x77: {  	_ =	shalt  }
0x78: {  	_ =	shalt  }
0x79: {  	_ =	shalt  }
0x7a: {  	_ =	shalt  }
0x7b: {  	_ =	shalt  }
0x7c: {  	_ =	shalt  }
0x7d: {  	_ =	shalt  }
0x7e: {  	_ =	shalt  }
0x7f: {  	_ =	shalt  }
0x80: {  	_ =	shalt  }
0x81: {  	_ =	shalt  }
0x82: {  	_ =	shalt  }
0x83: {  	_ =	shalt  }
0x84: {  	_ =	shalt  }
0x85: {  	_ =	shalt  }
0x86: {  	_ =	shalt  }
0x87: {  	_ =	shalt  }
.Lfunc_end0:
.L_simem_size_0:
called_computation_lowered:
.L_overlay_start_0:
0x88: {  	s2 =	sld [smem:$0x3FD9]  }
0x89: {  	s3 =	sld [smem:$0x3FFE];
	_ =	sdelay $0x1  }
0x8a: {  	s1 =	srdreg.scid  }
0x8b: {  	s0 =	sand.u32 $0x1, s1  }
0x8c: {  	s17 =	sshll.u32 s0, $0xA;
	s2 =	sadd.s32 s3, s2  }
0x8d: {  	s2 =	sadd.s32 s2, s17  }
0x8e: {  	[smem:$0x3FC6] =	sst s2  }
0x8f: {  	_ = 	snop  }
0x90: {  	s2 =	sld [smem:$0x3FC8]  }
0x91: {  	s18 =	sld [smem:$0x3FD0];
	(tm) =	ssettm $0x1  }
0x92: {  	s4 =	sld [smem:$0x3FFB];
	_ =	sdelay $0x3  }
0x93: {  	_ =	strace s4  }
0x94: {  	s4 =	sld [smem:$0x3FFC];
	_ =	sdelay $0x3  }
0x95: {  	_ =	strace s4  }
0x96: {  	s4 =	sld [smem:$0x3FFD];
	_ =	sdelay $0x3  }
0x97: {  	_ =	strace s4  }
0x98: {  	_ =	strace $0x8FFFFFFF  }
0x99: {  	s19 =	sld [smem:$0x3FDB];
	_ =	sdelay $0x1  }
0x9a: {  	s5 =	simm.s32 $_scs_section_size  }
0x9b: {  	s6 =	simm.s32 $_size__tile_overlayer_lowered;
	s7 =	simm.s32 $_tile_overlayer_lowered  }
0x9c: {  	s22 =	simm.s32 $0x1BFF;
	s21 =	sshll.u32 s7, $0x1;
	s4 =	sadd.s32 s5, s19  }
0x9d: {  	s8 =	simm.s32 $0x0;
	s20 =	sshll.u32 s6, $0x1;
	s6 =	sadd.s32 s21, s4  }
0x9e: {  	[timem:s8], [sflag:s22] =	dma.local [hbm:s6], s20  }
0x9f: {  	_ =	swait.ge [sflag:s22], s20  }
0xa0: {  	s5 =	ssub.s32 $0x0, s20;
	[sflag:s22] =	ssyncset.done $0x0  }
0xa1: {  	[sflag:s22] =	ssyncadd.s32 s5;
	_ =	sdelay $0x1  }
0xa2: {  	s23 =	simm.s32 $0x1B8B  }
0xa3: {  	_ =	swait.ge [sflag:s23], $0x1  }
0xa4: {  	[sflag:s23] =	ssyncset.done $0x0  }
0xa5: {  	s25 =	simm.s32 $0x1B8E;
	s24 =	sld [smem:$0x3FFE];
	[sflag:s23] =	ssyncadd.s32 $0xFFFFFFFF  }
0xa6: {  	s26 =	simm.s32 $execute0_lowered;
	[smem:$0x3FD2] =	sst s25  }
0xa7: {  	s6 =	sshll.u32 s26, $0x1;
	_ =	strace $0x80000046;
	[dreg:$0x1] =	wrdreg $0xFFFFFFFF  }
0xa8: {  	s28 =	simm.s32 $_size_execute0_lowered;
	s4 =	sadd.s32 s4, s6;
	[dreg:$0x0] =	wrdreg $0x0  }
0xa9: {  	s6 =	sshll.u32 s28, $0x1;
	[dreg:$0x2] =	wrdreg s4  }
0xaa: {  	[dreg:$0x3] =	wrdreg s6  }
0xab: {  	[dreg:$0x4] =	wrdreg $0xC0  }
0xac: {  	_ =	task [dreg:s8], $0x5FFFF  }
0xad: {  	[dreg:$0x1] =	wrdreg $0xFFFFFFFF  }
0xae: {  	[dreg:$0x0] =	wrdreg $0x60  }
0xaf: {  	[dreg:$0x2] =	wrdreg s24  }
0xb0: {  	[dreg:$0x3] =	wrdreg s2  }
0xb1: {  	[dreg:$0x4] =	wrdreg s18  }
0xb2: {  	[dreg:$0x5] =	wrdreg $0xBC000  }
0xb3: {  	[dreg:$0x6] =	wrdreg $0x9  }
0xb4: {  	_ =	task.clear_ibuf [dreg:s8], $0x7FFFF;
	_ =	strace $0x90000046  }
0xb5: {  	s29 =	simm.s32 $0x9;
	_ =	strace $0x80000048  }
0xb6: {  	_ =	swait.ge [sflag:s29], $0x1  }
0xb7: {  	[sflag:s29] =	ssyncadd.s32 $0xFFFFFFFF  }
0xb8: {  	_ =	strace $0x90000048  }
0xb9: {  	_ =	sfence  }
0xba: {  	s30 =	sld [smem:$0x0];
	_ =	sdelay $0x2  }
0xbb: {  	s31 =	sshll.u32 s1, $0xD;
	s1 =	sshrl.u32 s1, $0x2  }
0xbc: {  	s3 =	sand.u32 $0x4000, s31;
	s1 =	sadd.s32 s1, s30  }
0xbd: {  	s0 =	sor.u32 s3, s0;
	s1 =	sshll.u32 s1, $0x11  }
0xbe: {  	s0 =	sor.u32 s1, s0  }
0xbf: {  	s0 =	sadd.s32 $0x8F2B, s0  }
0xc0: {  	[sflag:s0] =	ssyncadd.remote.s32 $0x1  }
0xc1: {  	_ =	sfence.sel $0xFFFF  }
0xc2: {  	[dreg:$0x0] =	wrdreg $0xFFFFFFFF;
	(pc) =	sbr.abs _section_cstart, $3  }
0xc3: {  	[dreg:$0x1] =	wrdreg $0xFFFFFFFF  }
0xc4: {  	_ =	task.clear_ibuf [dreg:s8], $0x2FFFF;
	_ =	strace $0x9FFFFFFF  }
0xc5: {  	(tm) =	ssettm $0x7FFFFFFF  }
tec
execute0_lowered:
.L_overlay_start_1:
0x0: {  	(tag) =	ssettag $0x1  }
0x1: {  	s0 =	rddreg [dreg:$0x0]  }
0x2: {  	s1 =	rddreg [dreg:$0x1]  }
0x3: {  	s2 =	srdreg.scid;
	s6 =	rddreg [dreg:$0x2]  }
0x4: {  	s11 =	stileid.u32;
	s3 =	rddreg [dreg:$0x3];
	s26 =	simm.s32 $0x6400  }
0x5: {  	s29 =	simm.s32 $0x3800;
	s30 =	simm.s32 $0x9000;
	s9 =	smul.u32 $0x4F000, s11  }
0x6: {  	s31 =	simm.s32 $0x1;
	s2 =	sand.u32 $0x1, s2;
	s15 =	smul.u32 $0x13C00, s11  }
0x7: {  	s28 =	simm.s32 $0x7;
	s0 =	sadd.s32 $0x600, s0;
	s10 =	smul.u32 $0x13C000, s2  }
0x8: {  	s4 =	sshll.u32 s2, $0x4;
	s7 =	ssub.s32 $0x2, s2;
	s2 =	smul.u32 $0x3C000, s2  }
0x9: {  	s5 =	sor.u32 s11, s4;
	s4 =	simm.s32 $0x0;
	s11 =	smul.u32 $0x3C00, s11  }
0xa: {  	s8 =	sshrl.u32 s7, $0x1;
	s14 =	sshrl.u32 s9, $0x2;
	s5 =	smul.u32 $0x3C00, s5  }
0xb: {  	[smem:$0x7FF] =	sst s4;
	s7 =	ssub.s32 s7, s8;
	s9 =	sadd.s32 s14, s3  }
0xc: {  	_ =	strace $0x80000047;
	s16 =	sadd.s32 $0x2800, s9;
	[dreg:$0x5] =	wrdreg s26  }
0xd: {  	s8 =	sadd.s32 s15, s10;
	s17 =	sadd.s32 $0x5000, s9;
	[dreg:$0xa] =	wrdreg s16  }
0xe: {  	s18 =	sadd.s32 $0x7800, s9;
	s19 =	sadd.s32 $0xA000, s9;
	[dreg:$0xb] =	wrdreg s17  }
0xf: {  	s20 =	sadd.s32 $0xC800, s9;
	s21 =	sadd.s32 $0xF000, s9;
	[dreg:$0xc] =	wrdreg s18  }
0x10: {  	s22 =	sadd.s32 $0x11800, s9;
	s8 =	sshrl.u32 s8, $0x3;
	[dreg:$0xd] =	wrdreg s19  }
0x11: {  	s2 =	sadd.s32 s11, s2;
	s25 =	smax.u32 s7, $0x1;
	[dreg:$0xe] =	wrdreg s20  }
0x12: {  	s26 =	simm.s32 $0xC00;
	s5 =	sshrl.u32 s5, $0x3;
	[dreg:$0xf] =	wrdreg s21  }
0x13: {  	[dreg:$0x10] =	wrdreg s22;
	s23 =	sadd.s32 s6, s8;
	s24 =	sadd.s32 $0x78400, s2  }
0x14: {  	s2 =	sadd.s32 $0x400, s2;
	[dreg:$0x12] =	wrdreg s25;
	s21 =	simm.s32 $0xA  }
0x15: {  	s25 =	simm.s32 $0x54;
	s22 =	simm.s32 $0x4;
	s5 =	sadd.s32 s0, s5  }
0x16: {  	[dreg:$0x11] =	wrdreg s23;
	s6 =	sshrl.u32 s24, $0x3;
	s2 =	sshrl.u32 s2, $0x3  }
0x17: {  	s12 =	sadd.s32 $0xF000, s5;
	s13 =	sadd.s32 $0x40, s5;
	[dreg:$0x6] =	wrdreg s5  }
0x18: {  	s5 =	sadd.s32 $0xF040, s5;
	s11 =	sadd.s32 s6, s0;
	[dreg:$0x7] =	wrdreg s12  }
0x19: {  	s10 =	sadd.s32 s2, s0;
	s2 =	simm.s32 $0x2;
	[dreg:$0x8] =	wrdreg s13  }
0x1a: {  	v0 =	vimm.f32 $0.0e+00;
	s0 =	simm.s32 $0x8;
	s6 =	simm.s32 $0x0;
	[dreg:$0x9] =	wrdreg s5  }
.LBB2_1:
0x1b: {  	s5 =	rddreg [dreg:$0x6]  }
0x1c: {  	[tilespmem:s4], [sflag:$0xA] =	stream.linear.gather [hbm4b:s5+s4], $0x200, $0x38;
	[tilespmem:$0x1F800] =	vst v63  }
0x1d: {  	_ =	swait.ge [sflag:s21], $0x200  }
0x1e: {  	[sflag:s21] =	ssyncset.done $0x0  }
0x1f: {  	s7 =	simm.s32 $0x600;
	s16 =	rddreg [dreg:$0x7];
	[sflag:s21] =	ssyncadd.s32 $0xFFFFFE00  }
0x20: {  	[tilespmem:s7], [sflag:$0xA] =	stream.linear.gather [hbm4b:s16+s4], $0x200, $0x38;
	[tilespmem:$0x1F800] =	vst v63  }
0x21: {  	_ =	swait.ge [sflag:s21], $0x200  }
0x22: {  	[sflag:s21] =	ssyncset.done $0x0  }
0x23: {  	s18 =	simm.s32 $0x200;
	s17 =	rddreg [dreg:$0x8];
	[sflag:s21] =	ssyncadd.s32 $0xFFFFFE00  }
0x24: {  	[tilespmem:s18], [sflag:$0x9] =	stream.linear.gather [hbm4b:s17+s4], $0x200, $0x38;
	[tilespmem:$0x1F800] =	vst v63  }
0x25: {  	s20 =	simm.s32 $0x800;
	s24 =	sand.u32 $0xFE00, s4;
	s19 =	rddreg [dreg:$0x9]  }
0x26: {  	[tilespmem:s20], [sflag:$0x9] =	stream.linear.gather [hbm4b:s19+s4], $0x200, $0x38;
	[tilespmem:$0x1F800] =	vst v63  }
0x27: {  	s23 =	simm.s32 $0x80;
	s8 =	sand.u32 $0x70, s4;
	s12 =	sshrl.u32 s24, $0x2  }
0x28: {  	[tilespmem:s26], [sflag:$0x1] =	stream.indirect.gather [hbm4b:s1+s25], $0x80, s4, s25, $0xb8;
	[tilespmem:$0x1F800] =	vst v63  }
0x29: {  	s12 =	sor.u32 s8, s12;
	s8 =	simm.s32 $0x0;
	s7 =	simm.s32 $0x40  }
0x2a: {  	[tilespmem:s29], [sflag:$0x2] =	stream.indirect.gather [hbm4b:s1+s25], $0x80, s23, s25, $0xb8;
	[tilespmem:$0x1F800] =	vst v63  }
.LBB2_2:
0x2b: {  	p0 =	sne.s32 s7, $0x9FC0  }
0x2c: {  	[tilespmem:s12+$0x9000] =	vst v0;
	s8 =	sadd.s32 $0x10, s8;
	s12 =	smov.u32 s7;
	s7 =	sadd.s32 $0x40, s7  }
.Ltmp0:
0x2d: {  	(pc) =	sbr.rel @p0 .LBB2_2-.Ltmp0, $4  }
0x2e: {  	_ = 	snop  }
0x2f: {  	s12 =	sand.u32 $0xFE00, s12  }
0x30: {  	s13 =	sand.u32 $0x70, s8;
	s12 =	sshrl.u32 s12, $0x2  }
0x31: {  	s12 =	sor.u32 s13, s12  }
0x32: {  	[tilespmem:s12+$0x9000] =	vst v0  }
0x33: {  	[spmem:s9] =	stream.linear.scatter [tilespmem:s30], [sflag:$0xA], $0x2800, $0x38;
	[tilespmem:$0x1F800] =	vst v63  }
0x34: {  	_ =	swait.ge [sflag:s21], $0x2800  }
0x35: {  	[sflag:s21] =	ssyncset.done $0x0  }
0x36: {  	s5 =	rddreg [dreg:$0xa];
	[sflag:s21] =	ssyncadd.s32 $0xFFFFD800  }
0x37: {  	[spmem:s5] =	stream.linear.scatter [tilespmem:s30], [sflag:$0xA], $0x2800, $0x38;
	[tilespmem:$0x1F800] =	vst v63  }
0x38: {  	_ =	swait.ge [sflag:s21], $0x2800  }
0x39: {  	[sflag:s21] =	ssyncset.done $0x0  }
0x3a: {  	s16 =	rddreg [dreg:$0xb];
	[sflag:s21] =	ssyncadd.s32 $0xFFFFD800  }
0x3b: {  	[spmem:s16] =	stream.linear.scatter [tilespmem:s30], [sflag:$0xA], $0x2800, $0x38;
	[tilespmem:$0x1F800] =	vst v63  }
0x3c: {  	_ =	swait.ge [sflag:s21], $0x2800  }
0x3d: {  	[sflag:s21] =	ssyncset.done $0x0  }
0x3e: {  	s17 =	rddreg [dreg:$0xc];
	[sflag:s21] =	ssyncadd.s32 $0xFFFFD800  }
0x3f: {  	[spmem:s17] =	stream.linear.scatter [tilespmem:s30], [sflag:$0xA], $0x2800, $0x38;
	[tilespmem:$0x1F800] =	vst v63  }
0x40: {  	_ =	swait.ge [sflag:s21], $0x2800  }
0x41: {  	[sflag:s21] =	ssyncset.done $0x0  }
0x42: {  	s18 =	rddreg [dreg:$0xd];
	[sflag:s21] =	ssyncadd.s32 $0xFFFFD800  }
0x43: {  	[spmem:s18] =	stream.linear.scatter [tilespmem:s30], [sflag:$0xA], $0x2800, $0x38;
	[tilespmem:$0x1F800] =	vst v63  }
0x44: {  	_ =	swait.ge [sflag:s21], $0x2800  }
0x45: {  	[sflag:s21] =	ssyncset.done $0x0  }
0x46: {  	s19 =	rddreg [dreg:$0xe];
	[sflag:s21] =	ssyncadd.s32 $0xFFFFD800  }
0x47: {  	[spmem:s19] =	stream.linear.scatter [tilespmem:s30], [sflag:$0xA], $0x2800, $0x38;
	[tilespmem:$0x1F800] =	vst v63  }
0x48: {  	_ =	swait.ge [sflag:s21], $0x2800  }
0x49: {  	s8 =	simm.s32 $0x2;
	[sflag:s21] =	ssyncset.done $0x0  }
0x4a: {  	s13 =	smul.u32 $0xAB, s8;
	s20 =	rddreg [dreg:$0xf];
	[sflag:s21] =	ssyncadd.s32 $0xFFFFD800  }
0x4b: {  	[spmem:s20] =	stream.linear.scatter [tilespmem:s30], [sflag:$0xA], $0x2800, $0x38;
	[tilespmem:$0x1F800] =	vst v63  }
0x4c: {  	_ =	swait.ge [sflag:s21], $0x2800  }
0x4d: {  	s7 =	sadd.s32 $0xFFFFFEAA, s13;
	[sflag:s21] =	ssyncset.done $0x0  }
0x4e: {  	s7 =	sshrl.u32 s7, $0x9;
	s23 =	rddreg [dreg:$0x10];
	[sflag:s21] =	ssyncadd.s32 $0xFFFFD800  }
0x4f: {  	[spmem:s23] =	stream.linear.scatter [tilespmem:s30], [sflag:$0xA], $0x2400, $0x38;
	[tilespmem:$0x1F800] =	vst v63  }
0x50: {  	s7 =	sand.u32 $0x7F, s7;
	_ =	swait.ge [sflag:s21], $0x2400  }
0x51: {  	s7 =	smul.u32 $0x3, s7;
	[sflag:s21] =	ssyncset.done $0x0  }
0x52: {  	p0 =	por $0x1, $0x1;
	[sflag:s21] =	ssyncadd.s32 $0xFFFFDC00  }
0x53: {  	s12 =	simm.s32 @!p0 $0x7;
	s7 =	ssub.s32 $0x0, s7;
	[bflag:$0x0] =	sbarrier.arrive $0xFFFF  }
0x54: {  	s7 =	sand.u32 $0xFF, s7;
	_ =	swait.ge @!p0 [sflag:s12], $0x2A00  }
0x55: {  	s15 =	sshll.u32 s7, $0x9;
	[sflag:s12] =	ssyncset.done @!p0 $0x0  }
0x56: {  	s14 =	rddreg [dreg:$0x5];
	[sflag:s12] =	ssyncadd.s32 @!p0 $0xFFFFD600;
	s12 =	sor.u32 $0x100, s15  }
0x57: {  	[tilespmem:s14], [sflag:$0x3] =	stream.indirect.gather [hbm4b:s1+s25], $0x80, s12, s25, $0xb8;
	[tilespmem:$0x1F800] =	vst v63  }
0x58: {  	_ =	swait.ge [sflag:s31], $0x2A00  }
0x59: {  	[sflag:s31] =	ssyncset.done $0x0  }
0x5a: {  	s7 =	sadd.s32 $0x600, s15;
	s14 =	simm.s32 @!p0 $0x8;
	[sflag:s31] =	ssyncadd.s32 $0xFFFFD600  }
0x5b: {  	[spmem:s3] =	stream.indirect.scatter.add.f32 [tilespmem:s26], [sflag:$0x5], $0x80, s7, s25, $0xb8;
	[tilespmem:$0x1F800] =	vst v63  }
0x5c: {  	_ =	swait.ge @!p0 [sflag:s14], $0x2A00  }
0x5d: {  	[sflag:s14] =	ssyncset.done @!p0 $0x0  }
0x5e: {  	s7 =	sor.u32 $0x180, s15;
	[sflag:s14] =	ssyncadd.s32 @!p0 $0xFFFFD600  }
0x5f: {  	[tilespmem:s30], [sflag:$0x4] =	stream.indirect.gather [hbm4b:s1+s25], $0x80, s7, s25, $0xb8;
	[tilespmem:$0x1F800] =	vst v63  }
0x60: {  	s13 =	sadd.s32 $0xFFFFFF55, s13;
	p0 =	por $0x0, $0x0;
	_ =	swait.ge [sflag:s2], $0x2A00  }
0x61: {  	p1 =	por @!p0 $0x0, $0x0;
	p0 =	por p0, p0;
	[sflag:s2] =	ssyncset.done $0x0  }
0x62: {  	s24 =	sadd.s32 $0x680, s15;
	s15 =	simm.s32 @p0 $0x3;
	[sflag:s2] =	ssyncadd.s32 $0xFFFFD600  }
0x63: {  	[spmem:s3] =	stream.indirect.scatter.add.f32 [tilespmem:s29], [sflag:$0x6], $0x80, s24, s25, $0xb8;
	[tilespmem:$0x1F800] =	vst v63  }
0x64: {  	s13 =	sshrl.u32 s13, $0x9;
	p1 =	por p1, p0;
	_ =	swait.ge @p0 [sflag:s15], $0x2A00  }
0x65: {  	s14 =	simm.s32 @p0 $0x6400;
	s16 =	simm.s32 @p0 $0x54;
	[sflag:s15] =	ssyncset.done @p0 $0x0  }
0x66: {  	s8 =	smul.u32 @!p1 $0xAB, s8;
	[sflag:s15] =	ssyncadd.s32 @p0 $0xFFFFD600;
	s15 =	sadd.s32 @p0 $0x600, s12  }
0x67: {  	[spmem:s3] =	stream.indirect.scatter.add.f32 @p0 [tilespmem:s14], [sflag:$0x7], $0x80, s15, s16, $0xb8;
	[tilespmem:$0x1F800] =	vst v63  }
0x68: {  	s13 =	sand.u32 $0x7F, s13;
	s8 =	sshrl.u32 @!p1 s8, $0x9;
	s14 =	simm.s32 @!p0 $0x9  }
0x69: {  	s13 =	smul.u32 $0x3, s13;
	s8 =	sand.u32 @!p1 $0x7F, s8;
	_ =	swait.ge @!p0 [sflag:s14], $0x200  }
0x6a: {  	s8 =	smul.u32 @!p1 $0x3, s8;
	[sflag:s14] =	ssyncset.done @!p0 $0x0  }
0x6b: {  	s13 =	sxor.u32 $0xFFFFFFFF, s13;
	[sflag:s14] =	ssyncadd.s32 @!p0 $0xFFFFFE00  }
0x6c: {  	s13 =	sadd.s32 $0x2, s13;
	s8 =	ssub.s32 @!p1 $0x2, s8;
	_ =	swait.ge @!p0 [sflag:s14], $0x200  }
0x6d: {  	s19 =	smov.u32 s11;
	s8 =	sand.u32 @!p1 $0xFF, s8;
	[sflag:s14] =	ssyncset.done @!p0 $0x0  }
0x6e: {  	s8 =	sshll.u32 @!p1 s8, $0x9;
	[sflag:s14] =	ssyncadd.s32 @!p0 $0xFFFFFE00;
	s14 =	simm.s32 @!p1 $0x0  }
0x6f: {  	[tilespmem:s8], [sflag:$0x9] =	stream.linear.gather @!p1 [hbm4b:s10+s14], $0x200, $0x38;
	[tilespmem:$0x1F800] =	vst v63  }
0x70: {  	s20 =	smov.u32 s10;
	s15 =	simm.s32 @!p0 $0x5;
	s8 =	sadd.s32 @!p1 $0x600, s8  }
0x71: {  	[tilespmem:s8], [sflag:$0x9] =	stream.linear.gather @!p1 [hbm4b:s11+s14], $0x200, $0x38;
	[tilespmem:$0x1F800] =	vst v63  }
0x72: {  	s18 =	simm.s32 @!p0 $0x3;
	s17 =	simm.s32 @!p0 $0x3800;
	_ =	swait.ge @!p0 [sflag:s15], $0x2A00  }
0x73: {  	s16 =	simm.s32 @!p0 $0x54;
	s8 =	sand.u32 $0xFF, s13;
	[sflag:s15] =	ssyncset.done @!p0 $0x0  }
0x74: {  	s13 =	sshll.u32 @!p0 s8, $0x9;
	s8 =	simm.s32 @!p0 $0xC00;
	[sflag:s15] =	ssyncadd.s32 @!p0 $0xFFFFD600  }
0x75: {  	[tilespmem:s8], [sflag:$0x1] =	stream.indirect.gather @!p0 [hbm4b:s1+s16], $0x80, s13, s16, $0xb8;
	[tilespmem:$0x1F800] =	vst v63  }
0x76: {  	s14 =	sadd.s32 @!p0 $0x600, s12;
	s8 =	simm.s32 $0x3;
	s13 =	sor.u32 @!p0 $0x80, s13  }
.LBB2_4:
0x77: {  	s15 =	smul.u32 $0xAB, s8;
	_ =	swait.ge @!p0 [sflag:s18], $0x2A00  }
0x78: {  	s5 =	simm.s32 @!p0 $0x6400;
	[sflag:s18] =	ssyncset.done @!p0 $0x0  }
0x79: {  	s23 =	simm.s32 @!p0 $0x6;
	s24 =	sadd.s32 $0xFFFFFEAA, s15;
	[sflag:s18] =	ssyncadd.s32 @!p0 $0xFFFFD600  }
0x7a: {  	[spmem:s3] =	stream.indirect.scatter.add.f32 @!p0 [tilespmem:s5], [sflag:$0x7], $0x80, s14, s16, $0xb8;
	[tilespmem:$0x1F800] =	vst v63  }
0x7b: {  	s24 =	sshrl.u32 s24, $0x9;
	_ =	swait.ge @!p0 [sflag:s23], $0x2A00  }
0x7c: {  	s5 =	sand.u32 $0x7F, s24;
	[sflag:s23] =	ssyncset.done @!p0 $0x0  }
0x7d: {  	s12 =	smov.u32 s8;
	s5 =	smul.u32 $0x3, s5;
	[sflag:s23] =	ssyncadd.s32 @!p0 $0xFFFFD600  }
0x7e: {  	[tilespmem:s17], [sflag:$0x2] =	stream.indirect.gather @!p0 [hbm4b:s1+s16], $0x80, s13, s16, $0xb8;
	[tilespmem:$0x1F800] =	vst v63  }
0x7f: {  	s7 =	sadd.s32 $0x600, s7;
	s14 =	sadd.s32 $0xFFFFFFFE, s12;
	_ =	swait.ge [sflag:s22], $0x2A00  }
0x80: {  	p3 =	seq.s32 s12, $0x2;
	s5 =	ssub.s32 s14, s5;
	[sflag:s22] =	ssyncset.done $0x0  }
0x81: {  	s13 =	simm.s32 @!p3 $0x7;
	s5 =	sand.u32 $0xFF, s5;
	[sflag:s22] =	ssyncadd.s32 $0xFFFFD600  }
0x82: {  	[spmem:s3] =	stream.indirect.scatter.add.f32 [tilespmem:s30], [sflag:$0x8], $0x80, s7, s25, $0xb8;
	[tilespmem:$0x1F800] =	vst v63  }
0x83: {  	s15 =	sadd.s32 $0xFFFFFF55, s15;
	s5 =	sshll.u32 s5, $0x9;
	_ =	swait.ge @!p3 [sflag:s13], $0x2A00  }
0x84: {  	s18 =	sshrl.u32 s15, $0x9;
	s16 =	sor.u32 $0x100, s5;
	[sflag:s13] =	ssyncset.done @!p3 $0x0  }
0x85: {  	s7 =	sand.u32 $0x7F, s18;
	s23 =	rddreg [dreg:$0x5];
	[sflag:s13] =	ssyncadd.s32 @!p3 $0xFFFFD600  }
0x86: {  	[tilespmem:s23], [sflag:$0x3] =	stream.indirect.gather [hbm4b:s1+s25], $0x80, s16, s25, $0xb8;
	[tilespmem:$0x1F800] =	vst v63  }
0x87: {  	s7 =	smul.u32 $0x3, s7;
	_ =	swait.ge [sflag:s31], $0x2A00  }
0x88: {  	s17 =	simm.s32 @!p3 $0x8;
	[sflag:s31] =	ssyncset.done $0x0  }
0x89: {  	s24 =	sadd.s32 $0x600, s5;
	s7 =	sxor.u32 $0xFFFFFFFF, s7;
	[sflag:s31] =	ssyncadd.s32 $0xFFFFD600  }
0x8a: {  	[spmem:s3] =	stream.indirect.scatter.add.f32 [tilespmem:s26], [sflag:$0x5], $0x80, s24, s25, $0xb8;
	[tilespmem:$0x1F800] =	vst v63  }
0x8b: {  	p4 =	seq.s32 s12, $0x1F;
	s7 =	sadd.s32 s12, s7;
	_ =	swait.ge @!p3 [sflag:s17], $0x2A00  }
0x8c: {  	p0 =	por p4, p4;
	s7 =	sand.u32 $0xFF, s7;
	[sflag:s17] =	ssyncset.done @!p3 $0x0  }
0x8d: {  	s15 =	sshll.u32 @!p0 s7, $0x9;
	s7 =	sor.u32 $0x180, s5;
	[sflag:s17] =	ssyncadd.s32 @!p3 $0xFFFFD600  }
0x8e: {  	[tilespmem:s30], [sflag:$0x4] =	stream.indirect.gather [hbm4b:s1+s25], $0x80, s7, s25, $0xb8;
	[tilespmem:$0x1F800] =	vst v63  }
0x8f: {  	p2 =	sgt.u32 @!p4 s14, $0x1B;
	_ =	swait.ge [sflag:s2], $0x2A00  }
0x90: {  	p2 =	por p2, p0;
	[sflag:s2] =	ssyncset.done $0x0  }
0x91: {  	s5 =	sadd.s32 $0x680, s5;
	s17 =	simm.s32 @p0 $0x3;
	[sflag:s2] =	ssyncadd.s32 $0xFFFFD600  }
0x92: {  	[spmem:s3] =	stream.indirect.scatter.add.f32 [tilespmem:s29], [sflag:$0x6], $0x80, s5, s25, $0xb8;
	[tilespmem:$0x1F800] =	vst v63  }
0x93: {  	s14 =	sadd.s32 @!p0 $0x600, s16;
	s18 =	simm.s32 @p0 $0x6400;
	_ =	swait.ge @p0 [sflag:s17], $0x2A00  }
0x94: {  	s23 =	smul.u32 @!p2 $0xAB, s12;
	s16 =	sadd.s32 @p0 $0x600, s16;
	[sflag:s17] =	ssyncset.done @p0 $0x0  }
0x95: {  	s5 =	simm.s32 @!p0 $0x9;
	[sflag:s17] =	ssyncadd.s32 @p0 $0xFFFFD600;
	s17 =	simm.s32 @p0 $0x54  }
0x96: {  	[spmem:s3] =	stream.indirect.scatter.add.f32 @p0 [tilespmem:s18], [sflag:$0x7], $0x80, s16, s17, $0xb8;
	[tilespmem:$0x1F800] =	vst v63  }
0x97: {  	s16 =	sshrl.u32 @!p2 s23, $0x9;
	_ =	swait.ge @!p0 [sflag:s5], $0x200  }
0x98: {  	s16 =	sand.u32 @!p2 $0x7F, s16;
	[sflag:s5] =	ssyncset.done @!p0 $0x0  }
0x99: {  	s16 =	smul.u32 @!p2 $0x3, s16;
	[sflag:s5] =	ssyncadd.s32 @!p0 $0xFFFFFE00  }
0x9a: {  	_ =	swait.ge @!p0 [sflag:s5], $0x200  }
0x9b: {  	s12 =	ssub.s32 @!p2 s12, s16;
	[sflag:s5] =	ssyncset.done @!p0 $0x0  }
0x9c: {  	s8 =	sadd.s32 $0x1, s8;
	[sflag:s5] =	ssyncadd.s32 @!p0 $0xFFFFFE00;
	s5 =	sand.u32 @!p2 $0xFF, s12  }
0x9d: {  	s20 =	sadd.s32 $0x40, s20;
	s12 =	simm.s32 @!p2 $0x0;
	s5 =	sshll.u32 @!p2 s5, $0x9  }
0x9e: {  	[tilespmem:s5], [sflag:$0x9] =	stream.linear.gather @!p2 [hbm4b:s20+s12], $0x200, $0x38;
	[tilespmem:$0x1F800] =	vst v63  }
0x9f: {  	s19 =	sadd.s32 $0x40, s19;
	p1 =	sne.s32 s8, $0x20;
	s5 =	sadd.s32 @!p2 $0x600, s5  }
0xa0: {  	[tilespmem:s5], [sflag:$0x9] =	stream.linear.gather @!p2 [hbm4b:s19+s12], $0x200, $0x38;
	[tilespmem:$0x1F800] =	vst v63  }
.Ltmp1:
0xa1: {  	s16 =	simm.s32 @!p0 $0x5;
	(pc) =	sbr.rel @p1 .LBB2_4-.Ltmp1, $4  }
0xa2: {  	s13 =	sor.u32 @!p0 $0x80, s15;
	_ =	swait.ge @!p0 [sflag:s16], $0x2A00  }
0xa3: {  	s18 =	simm.s32 @!p0 $0x3;
	s17 =	simm.s32 @!p0 $0x3800;
	[sflag:s16] =	ssyncset.done @!p0 $0x0  }
0xa4: {  	s5 =	simm.s32 @!p0 $0xC00;
	[sflag:s16] =	ssyncadd.s32 @!p0 $0xFFFFD600;
	s16 =	simm.s32 @!p0 $0x54  }
0xa5: {  	[tilespmem:s5], [sflag:$0x1] =	stream.indirect.gather @!p0 [hbm4b:s1+s16], $0x80, s15, s16, $0xb8;
	[tilespmem:$0x1F800] =	vst v63  }
0xa6: {  	_ =	swait.ge @!p0 [sflag:s18], $0x2A00  }
0xa7: {  	[sflag:s18] =	ssyncset.done @!p0 $0x0  }
0xa8: {  	s5 =	simm.s32 @!p0 $0x6400;
	s8 =	simm.s32 @!p0 $0x6;
	[sflag:s18] =	ssyncadd.s32 @!p0 $0xFFFFD600  }
0xa9: {  	[spmem:s3] =	stream.indirect.scatter.add.f32 @!p0 [tilespmem:s5], [sflag:$0x7], $0x80, s14, s16, $0xb8;
	[tilespmem:$0x1F800] =	vst v63  }
0xaa: {  	_ =	swait.ge @!p0 [sflag:s8], $0x2A00  }
0xab: {  	[sflag:s8] =	ssyncset.done @!p0 $0x0  }
0xac: {  	[sflag:s8] =	ssyncadd.s32 @!p0 $0xFFFFD600  }
0xad: {  	[tilespmem:s17], [sflag:$0x2] =	stream.indirect.gather @!p0 [hbm4b:s1+s16], $0x80, s13, s16, $0xb8;
	[tilespmem:$0x1F800] =	vst v63  }
0xae: {  	_ =	swait.ge [sflag:s22], $0x2A00  }
0xaf: {  	[sflag:s22] =	ssyncset.done $0x0  }
0xb0: {  	s16 =	sadd.s32 $0x600, s7;
	s17 =	simm.s32 $0x5;
	[sflag:s22] =	ssyncadd.s32 $0xFFFFD600  }
0xb1: {  	[spmem:s3] =	stream.indirect.scatter.add.f32 [tilespmem:s30], [sflag:$0x8], $0x80, s16, s25, $0xb8;
	[tilespmem:$0x1F800] =	vst v63  }
0xb2: {  	_ =	swait.ge [sflag:s17], $0x2A00  }
0xb3: {  	[sflag:s17] =	ssyncset.done $0x0  }
0xb4: {  	s18 =	simm.s32 $0x6;
	[sflag:s17] =	ssyncadd.s32 $0xFFFFD600  }
0xb5: {  	_ =	swait.ge [sflag:s18], $0x2A00  }
0xb6: {  	[sflag:s18] =	ssyncset.done $0x0  }
0xb7: {  	[sflag:s18] =	ssyncadd.s32 $0xFFFFD600  }
0xb8: {  	_ =	swait.ge [sflag:s28], $0x2A00  }
0xb9: {  	[sflag:s28] =	ssyncset.done $0x0  }
0xba: {  	[sflag:s28] =	ssyncadd.s32 $0xFFFFD600  }
0xbb: {  	_ =	swait.ge [sflag:s0], $0x2A00  }
0xbc: {  	[sflag:s0] =	ssyncset.done $0x0  }
0xbd: {  	s19 =	stileid.u32;
	[sflag:s0] =	ssyncadd.s32 $0xFFFFD600  }
0xbe: {  	s5 =	sshll.u32 s19, $0x6;
	[bflag:$0x0] =	sbarrier.arrive $0xFFFF  }
0xbf: {  	s20 =	sshrl.u32 s9, $0x3;
	s5 =	sor.u32 $0x1C0A, s5;
	s23 =	rddreg [dreg:$0x11]  }
0xc0: {  	[hbm:s23], [sflag:s5] =	dma.local [spmem:s20], $0x2780  }
0xc1: {  	_ =	swait.ge [sflag:s21], $0x2780  }
0xc2: {  	s6 =	sadd.s32 $0x1, s6;
	s24 =	rddreg [dreg:$0x12]  }
0xc3: {  	p0 =	sne.s32 s6, s24  }
.Ltmp2:
0xc4: {  	_ = 	snop;
	(pc) =	sbr.rel @p0 .LBB2_1-.Ltmp2, $3  }
0xc5: {  	_ =	sdelay $0x1  }
0xc6: {  	[sflag:s21] =	ssyncset.done $0x0  }
0xc7: {  	[sflag:s21] =	ssyncadd.s32 $0xFFFFD880  }
0xc8: {  	_ =	sfence.sel $0x180000  }
0xc9: {  	[bflag:$0x0] =	sbarrier.arrive $0xFFFF  }
0xca: {  	_ =	strace $0x90000047  }
0xcb: {  	s0 =	stileid.u32;
	[bflag:$0x2] =	sbarrier.arrive $0xFFFF  }
0xcc: {  	p0 =	sne.s32 s0, $0x0;
	s0 =	rddreg [dreg:$0x4]  }
0xcd: {  	s0 =	sadd.s32 @!p0 $0x100000, s0  }
0xce: {  	[sflag:s0] =	ssyncadd.tile.s32 @!p0 $0x1;
	_ =	shalt  }
.Lfunc_end2:
_tile_overlayer_lowered:
.L_overlay_start_2:
0xcf: {  	(tag) =	ssettag $0x2  }
0xd0: {  	s0 =	rddreg [dreg:$0x0];
	s2 =	stileid.u32  }
0xd1: {  	s1 =	rddreg [dreg:$0x1];
	p0 =	sne.s32 s2, $0x0  }
0xd2: {  	s3 =	rddreg [dreg:$0x2];
	[bflag:$0x3] =	sbarrier.arrive $0xFFFF;
	s2 =	simm.s32 @!p0 $0x1C0A  }
0xd3: {  	[timem:s3], [sflag:s2] =	dma.local @!p0 [hbm:s0], s1  }
0xd4: {  	s0 =	simm.s32 @!p0 $0xA  }
0xd5: {  	_ =	swait.ge @!p0 [sflag:s0], s1  }
0xd6: {  	s1 =	ssub.s32 @!p0 $0x0, s1;
	[sflag:s0] =	ssyncset.done @!p0 $0x0  }
0xd7: {  	[sflag:s0] =	ssyncadd.s32 @!p0 s1  }
0xd8: {  	[bflag:$0x3] =	sbarrier.arrive $0xFFFF  }
0xd9: {  	_ =	shalt  }

</sc_bundles>
